<compile_context>
chip_gen: v7x
topology: tpu7x:2x2x1
jax: 0.10.2.dev20260603
libtpu: 0.0.44.dev20260713+nightly
codegen_flags: <defaults>
</compile_context>

<pallas_src>
import math
import functools

import jax
import jax.numpy as jnp
from jax import lax
from jax.experimental import pallas as pl
from jax.experimental.pallas import tpu as pltpu
from jax.experimental.pallas import tpu_sc as plsc

NC = 2
NS = 16
NW = NC * NS
LANES = 16


def _make_kernel(B, S, D, CH):
    SPW = S // NW
    G = SPW // CH
    scale = 1.0 / math.sqrt(D)
    VPR = D // LANES
    assert G % 2 == 0 and B == 4
    mesh = plsc.VectorSubcoreMesh(
        core_axis_name="c", subcore_axis_name="s",
        num_cores=NC, num_subcores=NS)

    @functools.partial(
        pl.kernel,
        out_type=jax.ShapeDtypeStruct((B * S, D), jnp.float32),
        mesh=mesh,
        scratch_types=[
            pltpu.VMEM((B * SPW,), jnp.int32),
            pltpu.VMEM((2, CH, D), jnp.float32),
        ] + [pltpu.VMEM((CH, D), jnp.float32) for _ in range(8)]
          + [pltpu.VMEM((CH, D), jnp.float32) for _ in range(4)]
          + [pltpu.SemaphoreType.DMA for _ in range(8)]
          + [pltpu.SemaphoreType.DMA for _ in range(4)]
          + [pltpu.SemaphoreType.DMA for _ in range(2)],
    )
    def k(x_hbm, tok_hbm, pos_hbm, out_hbm, idx_v, pos_v, *rest):
        gbuf = rest[0:8]
        obuf = rest[8:12]
        gsem = rest[12:20]
        wsem = rest[20:24]
        psem = rest[24:26]
        wid = lax.axis_index("s") * NC + lax.axis_index("c")
        s_base = wid * SPW

        def start_pos(g, par):
            pltpu.async_copy(
                pos_hbm.at[pl.ds(s_base + g * CH, CH), :],
                pos_v.at[par], psem[par])

        def wait_pos(par):
            pltpu.make_async_copy(
                pos_hbm.at[pl.ds(0, CH), :], pos_v.at[par], psem[par]).wait()

        def start_gathers(g, par):
            for j in range(B):
                pltpu.async_copy(
                    tok_hbm.at[idx_v.at[pl.ds(j * SPW + g * CH, CH)]],
                    gbuf[par * 4 + j], gsem[par * 4 + j])

        start_pos(0, 0)
        start_pos(1, 1)
        for b in range(B):
            pltpu.sync_copy(x_hbm.at[pl.ds(b * S + s_base, SPW)],
                            idx_v.at[pl.ds(b * SPW, SPW)])
        start_gathers(0, 0)
        start_gathers(1, 1)

        @pl.loop(0, G, step=2)
        def _pair(g0):
            for par in range(2):
                g = g0 + par

                for j in range(B):
                    pltpu.make_async_copy(
                        tok_hbm.at[idx_v.at[pl.ds(0, CH)]],
                        gbuf[par * 4 + j], gsem[par * 4 + j]).wait()
                wait_pos(par)

                @pl.when(g >= 1)
                def _():
                    for j in range(B):
                        pltpu.make_async_copy(
                            obuf[j], out_hbm.at[pl.ds(0, CH), :],
                            wsem[j]).wait()

                ps = pos_v.at[par]
                gs = [gbuf[par * 4 + j] for j in range(B)]

                @plsc.parallel_loop(0, CH * VPR, unroll=8)
                def _v(i):
                    r = i // VPR
                    cs = (i % VPR) * LANES
                    p = ps[r, pl.ds(cs, LANES)]
                    for j in range(B):
                        obuf[j][r, pl.ds(cs, LANES)] = (
                            gs[j][r, pl.ds(cs, LANES)] * scale + p)

                for j in range(B):
                    pltpu.async_copy(
                        obuf[j],
                        out_hbm.at[pl.ds(j * S + s_base + g * CH, CH), :],
                        wsem[j])

                @pl.when(g + 2 < G)
                def _():
                    start_pos(g + 2, par)
                    start_gathers(g + 2, par)

        for j in range(B):
            pltpu.make_async_copy(obuf[j], out_hbm.at[pl.ds(0, CH), :],
                                  wsem[j]).wait()

    return k


@jax.jit
def kernel(x, tok_emb, pos_emb):
    B, S = x.shape
    D = tok_emb.shape[1]
    xf = x.reshape(B * S).astype(jnp.int32)
    out = _make_kernel(B, S, D, CH=8)(xf, tok_emb, pos_emb)
    return out.reshape(B, S, D)

# --- scband reference (transcript-rebuilt; emitter-appended) ---
"""Pipeline reference for scband-input-embedding-68882685493447 (READ-ONLY COPY).

The authoritative reference and input builder live on the scoring server;
editing this copy changes nothing except your own understanding.
"""

import jax, jax.numpy as jnp
import numpy as np
import math

VOCAB_SIZE = 100000
MAX_LENGTH = 2048
D_MODEL = 1024
BATCH = 4
SEQ_LEN = 2048


def setup_inputs(seed: int = 0) -> dict:
    key = jax.random.key(seed)
    k1, k2, k3 = jax.random.split(key, 3)
    x = jax.random.randint(k1, (BATCH, SEQ_LEN), 0, VOCAB_SIZE, dtype=jnp.int64 if jax.config.jax_enable_x64 else jnp.int32)
    tok_emb = jax.random.normal(k2, (VOCAB_SIZE, D_MODEL), dtype=jnp.float32)
    pos_emb = jax.random.normal(k3, (MAX_LENGTH, D_MODEL), dtype=jnp.float32)
    return {"x": x, "tok_emb": tok_emb, "pos_emb": pos_emb}


def reference(x, tok_emb, pos_emb):
    # emb = self.tok_emb(x)
    emb = jnp.take(tok_emb, x, axis=0)  # [B, S, D]
    # pos = arange(S) repeated for each batch row
    pos = jnp.tile(jnp.arange(emb.shape[1])[None, :], (emb.shape[0], 1))  # [B, S]
    pos_e = jnp.take(pos_emb, pos, axis=0)  # [B, S, D]
    summed = emb / math.sqrt(D_MODEL) + pos_e
    return summed

if __name__ == "__main__":
    import jax
    _d = setup_inputs()
    print(jax.jit(kernel)(*tuple(_d.values())))

</pallas_src>

<mosaic_0001>
#map = affine_map<(d0, d1) -> (0)>
#map1 = affine_map<(d0, d1) -> (0, 0)>
module attributes {stable_mosaic.version = 14 : i64} {
  func.func @k(%arg0: i32, %arg1: i32, %arg2: memref<8192xi32, #tpu.memory_space<hbm>>, %arg3: memref<100000x1024xf32, #tpu.memory_space<hbm>>, %arg4: memref<2048x1024xf32, #tpu.memory_space<hbm>>, %arg5: memref<8192x1024xf32, #tpu.memory_space<hbm>>, %arg6: memref<256xi32, #tpu.memory_space<vmem>>, %arg7: memref<2x8x1024xf32, #tpu.memory_space<vmem>>, %arg8: memref<8x1024xf32, #tpu.memory_space<vmem>>, %arg9: memref<8x1024xf32, #tpu.memory_space<vmem>>, %arg10: memref<8x1024xf32, #tpu.memory_space<vmem>>, %arg11: memref<8x1024xf32, #tpu.memory_space<vmem>>, %arg12: memref<8x1024xf32, #tpu.memory_space<vmem>>, %arg13: memref<8x1024xf32, #tpu.memory_space<vmem>>, %arg14: memref<8x1024xf32, #tpu.memory_space<vmem>>, %arg15: memref<8x1024xf32, #tpu.memory_space<vmem>>, %arg16: memref<8x1024xf32, #tpu.memory_space<vmem>>, %arg17: memref<8x1024xf32, #tpu.memory_space<vmem>>, %arg18: memref<8x1024xf32, #tpu.memory_space<vmem>>, %arg19: memref<8x1024xf32, #tpu.memory_space<vmem>>, %arg20: memref<!tpu.dma_semaphore, #tpu.memory_space<semaphore_mem>>, %arg21: memref<!tpu.dma_semaphore, #tpu.memory_space<semaphore_mem>>, %arg22: memref<!tpu.dma_semaphore, #tpu.memory_space<semaphore_mem>>, %arg23: memref<!tpu.dma_semaphore, #tpu.memory_space<semaphore_mem>>, %arg24: memref<!tpu.dma_semaphore, #tpu.memory_space<semaphore_mem>>, %arg25: memref<!tpu.dma_semaphore, #tpu.memory_space<semaphore_mem>>, %arg26: memref<!tpu.dma_semaphore, #tpu.memory_space<semaphore_mem>>, %arg27: memref<!tpu.dma_semaphore, #tpu.memory_space<semaphore_mem>>, %arg28: memref<!tpu.dma_semaphore, #tpu.memory_space<semaphore_mem>>, %arg29: memref<!tpu.dma_semaphore, #tpu.memory_space<semaphore_mem>>, %arg30: memref<!tpu.dma_semaphore, #tpu.memory_space<semaphore_mem>>, %arg31: memref<!tpu.dma_semaphore, #tpu.memory_space<semaphore_mem>>, %arg32: memref<!tpu.dma_semaphore, #tpu.memory_space<semaphore_mem>>, %arg33: memref<!tpu.dma_semaphore, #tpu.memory_space<semaphore_mem>>) attributes {dimension_semantics = [#tpu.dimension_semantics<core_parallel>, #tpu.dimension_semantics<subcore_parallel>], iteration_bounds = array<i64: 2, 16>, scalar_prefetch = 0 : i64, scratch_operands = 28 : i64, tpu.core_type = #tpu.core_type<sc_vector_subcore>, window_params = [{transform_indices = #map}, {transform_indices = #map1}, {transform_indices = #map1}, {transform_indices = #map1}]} {
    %mul3A = arith.constant 2 : i32
    %mul3A_0 = arith.muli %arg1, %mul3A : i32
    %add3A = arith.addi %mul3A_0, %arg0 : i32
    %mul3A_1 = arith.constant 64 : i32
    %mul3A_2 = arith.muli %add3A, %mul3A_1 : i32
    %add3A_3 = arith.constant 0 : i32
    %add3A_4 = arith.addi %mul3A_2, %add3A_3 : i32
    %dma_start3A = arith.constant 0 : i32
    %dma_start3A_5 = arith.constant 0 : i32
    %dma_start3A_6 = arith.constant 0 : i32
    %dma_start3A_7 = tpu.memref_slice %arg7[%dma_start3A, %dma_start3A_5, %dma_start3A_6] : memref<2x8x1024xf32, #tpu.memory_space<vmem>> -> memref<1x8x1024xf32, #tpu.memory_space<vmem>>
    %dma_start3A_8 = tpu.memref_squeeze %dma_start3A_7 : memref<1x8x1024xf32, #tpu.memory_space<vmem>> -> memref<8x1024xf32, #tpu.memory_space<vmem>>
    %dma_start3A_9 = arith.constant 0 : i32
    %dma_start3A_10 = tpu.memref_slice %arg4[%add3A_4, %dma_start3A_9] : memref<2048x1024xf32, #tpu.memory_space<hbm>> -> memref<8x1024xf32, #tpu.memory_space<hbm>>
    %dma_start3A_11 = arith.constant 0 : i32
    %dma_start3A_12 = arith.constant 0 : i32
    %dma_start3A_13 = tpu.memref_slice %arg7[%dma_start3A, %dma_start3A_11, %dma_start3A_12] : memref<2x8x1024xf32, #tpu.memory_space<vmem>> -> memref<1x8x1024xf32, #tpu.memory_space<vmem>>
    %dma_start3A_14 = tpu.memref_squeeze %dma_start3A_13 : memref<1x8x1024xf32, #tpu.memory_space<vmem>> -> memref<8x1024xf32, #tpu.memory_space<vmem>>
    %dma_start3A_15 = arith.constant 0 : i32
    %dma_start3A_16 = tpu.memref_slice %arg4[%add3A_4, %dma_start3A_15] : memref<2048x1024xf32, #tpu.memory_space<hbm>> -> memref<8x1024xf32, #tpu.memory_space<hbm>>
    tpu.enqueue_dma source(%dma_start3A_16 : memref<8x1024xf32, #tpu.memory_space<hbm>>) target(%dma_start3A_14 : memref<8x1024xf32, #tpu.memory_space<vmem>>) target_semaphore(%arg32 : memref<!tpu.dma_semaphore, #tpu.memory_space<semaphore_mem>>)
    %add3A_17 = arith.constant 8 : i32
    %add3A_18 = arith.addi %mul3A_2, %add3A_17 : i32
    %dma_start3A_19 = arith.constant 1 : i32
    %dma_start3A_20 = arith.constant 0 : i32
    %dma_start3A_21 = arith.constant 0 : i32
    %dma_start3A_22 = tpu.memref_slice %arg7[%dma_start3A_19, %dma_start3A_20, %dma_start3A_21] : memref<2x8x1024xf32, #tpu.memory_space<vmem>> -> memref<1x8x1024xf32, #tpu.memory_space<vmem>>
    %dma_start3A_23 = tpu.memref_squeeze %dma_start3A_22 : memref<1x8x1024xf32, #tpu.memory_space<vmem>> -> memref<8x1024xf32, #tpu.memory_space<vmem>>
    %dma_start3A_24 = arith.constant 0 : i32
    %dma_start3A_25 = tpu.memref_slice %arg4[%add3A_18, %dma_start3A_24] : memref<2048x1024xf32, #tpu.memory_space<hbm>> -> memref<8x1024xf32, #tpu.memory_space<hbm>>
    %dma_start3A_26 = arith.constant 0 : i32
    %dma_start3A_27 = arith.constant 0 : i32
    %dma_start3A_28 = tpu.memref_slice %arg7[%dma_start3A_19, %dma_start3A_26, %dma_start3A_27] : memref<2x8x1024xf32, #tpu.memory_space<vmem>> -> memref<1x8x1024xf32, #tpu.memory_space<vmem>>
    %dma_start3A_29 = tpu.memref_squeeze %dma_start3A_28 : memref<1x8x1024xf32, #tpu.memory_space<vmem>> -> memref<8x1024xf32, #tpu.memory_space<vmem>>
    %dma_start3A_30 = arith.constant 0 : i32
    %dma_start3A_31 = tpu.memref_slice %arg4[%add3A_18, %dma_start3A_30] : memref<2048x1024xf32, #tpu.memory_space<hbm>> -> memref<8x1024xf32, #tpu.memory_space<hbm>>
    tpu.enqueue_dma source(%dma_start3A_31 : memref<8x1024xf32, #tpu.memory_space<hbm>>) target(%dma_start3A_29 : memref<8x1024xf32, #tpu.memory_space<vmem>>) target_semaphore(%arg33 : memref<!tpu.dma_semaphore, #tpu.memory_space<semaphore_mem>>)
    %add3A_32 = arith.constant 0 : i32
    %add3A_33 = arith.addi %add3A_32, %mul3A_2 : i32
    "tpu.region"() ({
      %run_scoped3A = tpu.sem_alloc : memref<!tpu.dma_semaphore, #tpu.memory_space<semaphore_mem>>
      %dma_start3A_107 = arith.constant 0 : i32
      %dma_start3A_108 = tpu.memref_slice %arg6[%dma_start3A_107] : memref<256xi32, #tpu.memory_space<vmem>> -> memref<64xi32, #tpu.memory_space<vmem>>
      %dma_start3A_109 = tpu.memref_slice %arg2[%add3A_33] : memref<8192xi32, #tpu.memory_space<hbm>> -> memref<64xi32, #tpu.memory_space<hbm>>
      %dma_start3A_110 = arith.constant 0 : i32
      %dma_start3A_111 = tpu.memref_slice %arg6[%dma_start3A_110] : memref<256xi32, #tpu.memory_space<vmem>> -> memref<64xi32, #tpu.memory_space<vmem>>
      %dma_start3A_112 = tpu.memref_slice %arg2[%add3A_33] : memref<8192xi32, #tpu.memory_space<hbm>> -> memref<64xi32, #tpu.memory_space<hbm>>
      tpu.enqueue_dma source(%dma_start3A_112 : memref<64xi32, #tpu.memory_space<hbm>>) target(%dma_start3A_111 : memref<64xi32, #tpu.memory_space<vmem>>) target_semaphore(%run_scoped3A : memref<!tpu.dma_semaphore, #tpu.memory_space<semaphore_mem>>)
      %dma_wait3A_113 = arith.constant 0 : i32
      %dma_wait3A_114 = tpu.memref_slice %arg6[%dma_wait3A_113] : memref<256xi32, #tpu.memory_space<vmem>> -> memref<64xi32, #tpu.memory_space<vmem>>
      %dma_wait3A_115 = tpu.memref_slice %arg2[%add3A_33] : memref<8192xi32, #tpu.memory_space<hbm>> -> memref<64xi32, #tpu.memory_space<hbm>>
      %dma_wait3A_116 = arith.constant 0 : i32
      %dma_wait3A_117 = tpu.memref_slice %arg6[%dma_wait3A_116] : memref<256xi32, #tpu.memory_space<vmem>> -> memref<64xi32, #tpu.memory_space<vmem>>
      %dma_wait3A_118 = tpu.memref_slice %arg2[%add3A_33] : memref<8192xi32, #tpu.memory_space<hbm>> -> memref<64xi32, #tpu.memory_space<hbm>>
      tpu.wait_dma2 semaphore(%run_scoped3A : memref<!tpu.dma_semaphore, #tpu.memory_space<semaphore_mem>>) src(%dma_wait3A_118 : memref<64xi32, #tpu.memory_space<hbm>>) dst(%dma_wait3A_117 : memref<64xi32, #tpu.memory_space<vmem>>)
      tpu.yield
    }) : () -> ()
    %add3A_34 = arith.constant 2048 : i32
    %add3A_35 = arith.addi %add3A_34, %mul3A_2 : i32
    "tpu.region"() ({
      %run_scoped3A = tpu.sem_alloc : memref<!tpu.dma_semaphore, #tpu.memory_space<semaphore_mem>>
      %dma_start3A_107 = arith.constant 64 : i32
      %dma_start3A_108 = tpu.memref_slice %arg6[%dma_start3A_107] : memref<256xi32, #tpu.memory_space<vmem>> -> memref<64xi32, #tpu.memory_space<vmem>>
      %dma_start3A_109 = tpu.memref_slice %arg2[%add3A_35] : memref<8192xi32, #tpu.memory_space<hbm>> -> memref<64xi32, #tpu.memory_space<hbm>>
      %dma_start3A_110 = arith.constant 64 : i32
      %dma_start3A_111 = tpu.memref_slice %arg6[%dma_start3A_110] : memref<256xi32, #tpu.memory_space<vmem>> -> memref<64xi32, #tpu.memory_space<vmem>>
      %dma_start3A_112 = tpu.memref_slice %arg2[%add3A_35] : memref<8192xi32, #tpu.memory_space<hbm>> -> memref<64xi32, #tpu.memory_space<hbm>>
      tpu.enqueue_dma source(%dma_start3A_112 : memref<64xi32, #tpu.memory_space<hbm>>) target(%dma_start3A_111 : memref<64xi32, #tpu.memory_space<vmem>>) target_semaphore(%run_scoped3A : memref<!tpu.dma_semaphore, #tpu.memory_space<semaphore_mem>>)
      %dma_wait3A_113 = arith.constant 64 : i32
      %dma_wait3A_114 = tpu.memref_slice %arg6[%dma_wait3A_113] : memref<256xi32, #tpu.memory_space<vmem>> -> memref<64xi32, #tpu.memory_space<vmem>>
      %dma_wait3A_115 = tpu.memref_slice %arg2[%add3A_35] : memref<8192xi32, #tpu.memory_space<hbm>> -> memref<64xi32, #tpu.memory_space<hbm>>
      %dma_wait3A_116 = arith.constant 64 : i32
      %dma_wait3A_117 = tpu.memref_slice %arg6[%dma_wait3A_116] : memref<256xi32, #tpu.memory_space<vmem>> -> memref<64xi32, #tpu.memory_space<vmem>>
      %dma_wait3A_118 = tpu.memref_slice %arg2[%add3A_35] : memref<8192xi32, #tpu.memory_space<hbm>> -> memref<64xi32, #tpu.memory_space<hbm>>
      tpu.wait_dma2 semaphore(%run_scoped3A : memref<!tpu.dma_semaphore, #tpu.memory_space<semaphore_mem>>) src(%dma_wait3A_118 : memref<64xi32, #tpu.memory_space<hbm>>) dst(%dma_wait3A_117 : memref<64xi32, #tpu.memory_space<vmem>>)
      tpu.yield
    }) : () -> ()
    %add3A_36 = arith.constant 4096 : i32
    %add3A_37 = arith.addi %add3A_36, %mul3A_2 : i32
    "tpu.region"() ({
      %run_scoped3A = tpu.sem_alloc : memref<!tpu.dma_semaphore, #tpu.memory_space<semaphore_mem>>
      %dma_start3A_107 = arith.constant 128 : i32
      %dma_start3A_108 = tpu.memref_slice %arg6[%dma_start3A_107] : memref<256xi32, #tpu.memory_space<vmem>> -> memref<64xi32, #tpu.memory_space<vmem>>
      %dma_start3A_109 = tpu.memref_slice %arg2[%add3A_37] : memref<8192xi32, #tpu.memory_space<hbm>> -> memref<64xi32, #tpu.memory_space<hbm>>
      %dma_start3A_110 = arith.constant 128 : i32
      %dma_start3A_111 = tpu.memref_slice %arg6[%dma_start3A_110] : memref<256xi32, #tpu.memory_space<vmem>> -> memref<64xi32, #tpu.memory_space<vmem>>
      %dma_start3A_112 = tpu.memref_slice %arg2[%add3A_37] : memref<8192xi32, #tpu.memory_space<hbm>> -> memref<64xi32, #tpu.memory_space<hbm>>
      tpu.enqueue_dma source(%dma_start3A_112 : memref<64xi32, #tpu.memory_space<hbm>>) target(%dma_start3A_111 : memref<64xi32, #tpu.memory_space<vmem>>) target_semaphore(%run_scoped3A : memref<!tpu.dma_semaphore, #tpu.memory_space<semaphore_mem>>)
      %dma_wait3A_113 = arith.constant 128 : i32
      %dma_wait3A_114 = tpu.memref_slice %arg6[%dma_wait3A_113] : memref<256xi32, #tpu.memory_space<vmem>> -> memref<64xi32, #tpu.memory_space<vmem>>
      %dma_wait3A_115 = tpu.memref_slice %arg2[%add3A_37] : memref<8192xi32, #tpu.memory_space<hbm>> -> memref<64xi32, #tpu.memory_space<hbm>>
      %dma_wait3A_116 = arith.constant 128 : i32
      %dma_wait3A_117 = tpu.memref_slice %arg6[%dma_wait3A_116] : memref<256xi32, #tpu.memory_space<vmem>> -> memref<64xi32, #tpu.memory_space<vmem>>
      %dma_wait3A_118 = tpu.memref_slice %arg2[%add3A_37] : memref<8192xi32, #tpu.memory_space<hbm>> -> memref<64xi32, #tpu.memory_space<hbm>>
      tpu.wait_dma2 semaphore(%run_scoped3A : memref<!tpu.dma_semaphore, #tpu.memory_space<semaphore_mem>>) src(%dma_wait3A_118 : memref<64xi32, #tpu.memory_space<hbm>>) dst(%dma_wait3A_117 : memref<64xi32, #tpu.memory_space<vmem>>)
      tpu.yield
    }) : () -> ()
    %add3A_38 = arith.constant 6144 : i32
    %add3A_39 = arith.addi %add3A_38, %mul3A_2 : i32
    "tpu.region"() ({
      %run_scoped3A = tpu.sem_alloc : memref<!tpu.dma_semaphore, #tpu.memory_space<semaphore_mem>>
      %dma_start3A_107 = arith.constant 192 : i32
      %dma_start3A_108 = tpu.memref_slice %arg6[%dma_start3A_107] : memref<256xi32, #tpu.memory_space<vmem>> -> memref<64xi32, #tpu.memory_space<vmem>>
      %dma_start3A_109 = tpu.memref_slice %arg2[%add3A_39] : memref<8192xi32, #tpu.memory_space<hbm>> -> memref<64xi32, #tpu.memory_space<hbm>>
      %dma_start3A_110 = arith.constant 192 : i32
      %dma_start3A_111 = tpu.memref_slice %arg6[%dma_start3A_110] : memref<256xi32, #tpu.memory_space<vmem>> -> memref<64xi32, #tpu.memory_space<vmem>>
      %dma_start3A_112 = tpu.memref_slice %arg2[%add3A_39] : memref<8192xi32, #tpu.memory_space<hbm>> -> memref<64xi32, #tpu.memory_space<hbm>>
      tpu.enqueue_dma source(%dma_start3A_112 : memref<64xi32, #tpu.memory_space<hbm>>) target(%dma_start3A_111 : memref<64xi32, #tpu.memory_space<vmem>>) target_semaphore(%run_scoped3A : memref<!tpu.dma_semaphore, #tpu.memory_space<semaphore_mem>>)
      %dma_wait3A_113 = arith.constant 192 : i32
      %dma_wait3A_114 = tpu.memref_slice %arg6[%dma_wait3A_113] : memref<256xi32, #tpu.memory_space<vmem>> -> memref<64xi32, #tpu.memory_space<vmem>>
      %dma_wait3A_115 = tpu.memref_slice %arg2[%add3A_39] : memref<8192xi32, #tpu.memory_space<hbm>> -> memref<64xi32, #tpu.memory_space<hbm>>
      %dma_wait3A_116 = arith.constant 192 : i32
      %dma_wait3A_117 = tpu.memref_slice %arg6[%dma_wait3A_116] : memref<256xi32, #tpu.memory_space<vmem>> -> memref<64xi32, #tpu.memory_space<vmem>>
      %dma_wait3A_118 = tpu.memref_slice %arg2[%add3A_39] : memref<8192xi32, #tpu.memory_space<hbm>> -> memref<64xi32, #tpu.memory_space<hbm>>
      tpu.wait_dma2 semaphore(%run_scoped3A : memref<!tpu.dma_semaphore, #tpu.memory_space<semaphore_mem>>) src(%dma_wait3A_118 : memref<64xi32, #tpu.memory_space<hbm>>) dst(%dma_wait3A_117 : memref<64xi32, #tpu.memory_space<vmem>>)
      tpu.yield
    }) : () -> ()
    %dma_start3A_40 = arith.constant 0 : i32
    %dma_start3A_41 = tpu.memref_slice %arg6[%dma_start3A_40] : memref<256xi32, #tpu.memory_space<vmem>> -> memref<8xi32, #tpu.memory_space<vmem>>
    %dma_start3A_42 = arith.constant 0 : i32
    %dma_start3A_43 = arith.constant 0 : i32
    %dma_start3A_44 = tpu.memref_slice %arg3[%dma_start3A_42, %dma_start3A_43] : memref<100000x1024xf32, #tpu.memory_space<hbm>> -> memref<100000x1024xf32, #tpu.memory_space<hbm>>
    tpu.enqueue_indirect_dma source(%dma_start3A_44 : memref<100000x1024xf32, #tpu.memory_space<hbm>>) target(%arg8 : memref<8x1024xf32, #tpu.memory_space<vmem>>) offsets(%dma_start3A_41 : memref<8xi32, #tpu.memory_space<vmem>>) semaphore(%arg20 : memref<!tpu.dma_semaphore, #tpu.memory_space<semaphore_mem>>)
    %dma_start3A_45 = arith.constant 64 : i32
    %dma_start3A_46 = tpu.memref_slice %arg6[%dma_start3A_45] : memref<256xi32, #tpu.memory_space<vmem>> -> memref<8xi32, #tpu.memory_space<vmem>>
    %dma_start3A_47 = arith.constant 0 : i32
    %dma_start3A_48 = arith.constant 0 : i32
    %dma_start3A_49 = tpu.memref_slice %arg3[%dma_start3A_47, %dma_start3A_48] : memref<100000x1024xf32, #tpu.memory_space<hbm>> -> memref<100000x1024xf32, #tpu.memory_space<hbm>>
    tpu.enqueue_indirect_dma source(%dma_start3A_49 : memref<100000x1024xf32, #tpu.memory_space<hbm>>) target(%arg9 : memref<8x1024xf32, #tpu.memory_space<vmem>>) offsets(%dma_start3A_46 : memref<8xi32, #tpu.memory_space<vmem>>) semaphore(%arg21 : memref<!tpu.dma_semaphore, #tpu.memory_space<semaphore_mem>>)
    %dma_start3A_50 = arith.constant 128 : i32
    %dma_start3A_51 = tpu.memref_slice %arg6[%dma_start3A_50] : memref<256xi32, #tpu.memory_space<vmem>> -> memref<8xi32, #tpu.memory_space<vmem>>
    %dma_start3A_52 = arith.constant 0 : i32
    %dma_start3A_53 = arith.constant 0 : i32
    %dma_start3A_54 = tpu.memref_slice %arg3[%dma_start3A_52, %dma_start3A_53] : memref<100000x1024xf32, #tpu.memory_space<hbm>> -> memref<100000x1024xf32, #tpu.memory_space<hbm>>
    tpu.enqueue_indirect_dma source(%dma_start3A_54 : memref<100000x1024xf32, #tpu.memory_space<hbm>>) target(%arg10 : memref<8x1024xf32, #tpu.memory_space<vmem>>) offsets(%dma_start3A_51 : memref<8xi32, #tpu.memory_space<vmem>>) semaphore(%arg22 : memref<!tpu.dma_semaphore, #tpu.memory_space<semaphore_mem>>)
    %dma_start3A_55 = arith.constant 192 : i32
    %dma_start3A_56 = tpu.memref_slice %arg6[%dma_start3A_55] : memref<256xi32, #tpu.memory_space<vmem>> -> memref<8xi32, #tpu.memory_space<vmem>>
    %dma_start3A_57 = arith.constant 0 : i32
    %dma_start3A_58 = arith.constant 0 : i32
    %dma_start3A_59 = tpu.memref_slice %arg3[%dma_start3A_57, %dma_start3A_58] : memref<100000x1024xf32, #tpu.memory_space<hbm>> -> memref<100000x1024xf32, #tpu.memory_space<hbm>>
    tpu.enqueue_indirect_dma source(%dma_start3A_59 : memref<100000x1024xf32, #tpu.memory_space<hbm>>) target(%arg11 : memref<8x1024xf32, #tpu.memory_space<vmem>>) offsets(%dma_start3A_56 : memref<8xi32, #tpu.memory_space<vmem>>) semaphore(%arg23 : memref<!tpu.dma_semaphore, #tpu.memory_space<semaphore_mem>>)
    %dma_start3A_60 = arith.constant 8 : i32
    %dma_start3A_61 = tpu.memref_slice %arg6[%dma_start3A_60] : memref<256xi32, #tpu.memory_space<vmem>> -> memref<8xi32, #tpu.memory_space<vmem>>
    %dma_start3A_62 = arith.constant 0 : i32
    %dma_start3A_63 = arith.constant 0 : i32
    %dma_start3A_64 = tpu.memref_slice %arg3[%dma_start3A_62, %dma_start3A_63] : memref<100000x1024xf32, #tpu.memory_space<hbm>> -> memref<100000x1024xf32, #tpu.memory_space<hbm>>
    tpu.enqueue_indirect_dma source(%dma_start3A_64 : memref<100000x1024xf32, #tpu.memory_space<hbm>>) target(%arg12 : memref<8x1024xf32, #tpu.memory_space<vmem>>) offsets(%dma_start3A_61 : memref<8xi32, #tpu.memory_space<vmem>>) semaphore(%arg24 : memref<!tpu.dma_semaphore, #tpu.memory_space<semaphore_mem>>)
    %dma_start3A_65 = arith.constant 72 : i32
    %dma_start3A_66 = tpu.memref_slice %arg6[%dma_start3A_65] : memref<256xi32, #tpu.memory_space<vmem>> -> memref<8xi32, #tpu.memory_space<vmem>>
    %dma_start3A_67 = arith.constant 0 : i32
    %dma_start3A_68 = arith.constant 0 : i32
    %dma_start3A_69 = tpu.memref_slice %arg3[%dma_start3A_67, %dma_start3A_68] : memref<100000x1024xf32, #tpu.memory_space<hbm>> -> memref<100000x1024xf32, #tpu.memory_space<hbm>>
    tpu.enqueue_indirect_dma source(%dma_start3A_69 : memref<100000x1024xf32, #tpu.memory_space<hbm>>) target(%arg13 : memref<8x1024xf32, #tpu.memory_space<vmem>>) offsets(%dma_start3A_66 : memref<8xi32, #tpu.memory_space<vmem>>) semaphore(%arg25 : memref<!tpu.dma_semaphore, #tpu.memory_space<semaphore_mem>>)
    %dma_start3A_70 = arith.constant 136 : i32
    %dma_start3A_71 = tpu.memref_slice %arg6[%dma_start3A_70] : memref<256xi32, #tpu.memory_space<vmem>> -> memref<8xi32, #tpu.memory_space<vmem>>
    %dma_start3A_72 = arith.constant 0 : i32
    %dma_start3A_73 = arith.constant 0 : i32
    %dma_start3A_74 = tpu.memref_slice %arg3[%dma_start3A_72, %dma_start3A_73] : memref<100000x1024xf32, #tpu.memory_space<hbm>> -> memref<100000x1024xf32, #tpu.memory_space<hbm>>
    tpu.enqueue_indirect_dma source(%dma_start3A_74 : memref<100000x1024xf32, #tpu.memory_space<hbm>>) target(%arg14 : memref<8x1024xf32, #tpu.memory_space<vmem>>) offsets(%dma_start3A_71 : memref<8xi32, #tpu.memory_space<vmem>>) semaphore(%arg26 : memref<!tpu.dma_semaphore, #tpu.memory_space<semaphore_mem>>)
    %dma_start3A_75 = arith.constant 200 : i32
    %dma_start3A_76 = tpu.memref_slice %arg6[%dma_start3A_75] : memref<256xi32, #tpu.memory_space<vmem>> -> memref<8xi32, #tpu.memory_space<vmem>>
    %dma_start3A_77 = arith.constant 0 : i32
    %dma_start3A_78 = arith.constant 0 : i32
    %dma_start3A_79 = tpu.memref_slice %arg3[%dma_start3A_77, %dma_start3A_78] : memref<100000x1024xf32, #tpu.memory_space<hbm>> -> memref<100000x1024xf32, #tpu.memory_space<hbm>>
    tpu.enqueue_indirect_dma source(%dma_start3A_79 : memref<100000x1024xf32, #tpu.memory_space<hbm>>) target(%arg15 : memref<8x1024xf32, #tpu.memory_space<vmem>>) offsets(%dma_start3A_76 : memref<8xi32, #tpu.memory_space<vmem>>) semaphore(%arg27 : memref<!tpu.dma_semaphore, #tpu.memory_space<semaphore_mem>>)
    %scan3A = arith.constant 0 : i32
    %scan3A_80 = arith.constant 4 : i32
    %scan3A_81 = arith.addi %scan3A, %scan3A_80 : i32
    %scan3A_82 = arith.constant 1 : i32
    scf.for %scan3A_107 = %scan3A to %scan3A_81 step %scan3A_82  : i32 {
      %mul3A_108 = arith.constant 2 : i32
      %mul3A_109 = arith.muli %scan3A_107, %mul3A_108 : i32
      %add3A_110 = arith.constant 0 : i32
      %add3A_111 = arith.addi %add3A_110, %mul3A_109 : i32
      %add3A_112 = arith.constant 0 : i32
      %add3A_113 = arith.addi %add3A_111, %add3A_112 : i32
      %dma_wait3A_114 = arith.constant 0 : i32
      %dma_wait3A_115 = tpu.memref_slice %arg6[%dma_wait3A_114] : memref<256xi32, #tpu.memory_space<vmem>> -> memref<8xi32, #tpu.memory_space<vmem>>
      %dma_wait3A_116 = arith.constant 0 : i32
      %dma_wait3A_117 = arith.constant 0 : i32
      %dma_wait3A_118 = tpu.memref_slice %arg3[%dma_wait3A_116, %dma_wait3A_117] : memref<100000x1024xf32, #tpu.memory_space<hbm>> -> memref<100000x1024xf32, #tpu.memory_space<hbm>>
      tpu.wait_indirect_dma semaphore(%arg20 : memref<!tpu.dma_semaphore, #tpu.memory_space<semaphore_mem>>) src(%dma_wait3A_118 : memref<100000x1024xf32, #tpu.memory_space<hbm>>) dst(%arg8 : memref<8x1024xf32, #tpu.memory_space<vmem>>)
      %dma_wait3A_119 = arith.constant 0 : i32
      %dma_wait3A_120 = tpu.memref_slice %arg6[%dma_wait3A_119] : memref<256xi32, #tpu.memory_space<vmem>> -> memref<8xi32, #tpu.memory_space<vmem>>
      %dma_wait3A_121 = arith.constant 0 : i32
      %dma_wait3A_122 = arith.constant 0 : i32
      %dma_wait3A_123 = tpu.memref_slice %arg3[%dma_wait3A_121, %dma_wait3A_122] : memref<100000x1024xf32, #tpu.memory_space<hbm>> -> memref<100000x1024xf32, #tpu.memory_space<hbm>>
      tpu.wait_indirect_dma semaphore(%arg21 : memref<!tpu.dma_semaphore, #tpu.memory_space<semaphore_mem>>) src(%dma_wait3A_123 : memref<100000x1024xf32, #tpu.memory_space<hbm>>) dst(%arg9 : memref<8x1024xf32, #tpu.memory_space<vmem>>)
      %dma_wait3A_124 = arith.constant 0 : i32
      %dma_wait3A_125 = tpu.memref_slice %arg6[%dma_wait3A_124] : memref<256xi32, #tpu.memory_space<vmem>> -> memref<8xi32, #tpu.memory_space<vmem>>
      %dma_wait3A_126 = arith.constant 0 : i32
      %dma_wait3A_127 = arith.constant 0 : i32
      %dma_wait3A_128 = tpu.memref_slice %arg3[%dma_wait3A_126, %dma_wait3A_127] : memref<100000x1024xf32, #tpu.memory_space<hbm>> -> memref<100000x1024xf32, #tpu.memory_space<hbm>>
      tpu.wait_indirect_dma semaphore(%arg22 : memref<!tpu.dma_semaphore, #tpu.memory_space<semaphore_mem>>) src(%dma_wait3A_128 : memref<100000x1024xf32, #tpu.memory_space<hbm>>) dst(%arg10 : memref<8x1024xf32, #tpu.memory_space<vmem>>)
      %dma_wait3A_129 = arith.constant 0 : i32
      %dma_wait3A_130 = tpu.memref_slice %arg6[%dma_wait3A_129] : memref<256xi32, #tpu.memory_space<vmem>> -> memref<8xi32, #tpu.memory_space<vmem>>
      %dma_wait3A_131 = arith.constant 0 : i32
      %dma_wait3A_132 = arith.constant 0 : i32
      %dma_wait3A_133 = tpu.memref_slice %arg3[%dma_wait3A_131, %dma_wait3A_132] : memref<100000x1024xf32, #tpu.memory_space<hbm>> -> memref<100000x1024xf32, #tpu.memory_space<hbm>>
      tpu.wait_indirect_dma semaphore(%arg23 : memref<!tpu.dma_semaphore, #tpu.memory_space<semaphore_mem>>) src(%dma_wait3A_133 : memref<100000x1024xf32, #tpu.memory_space<hbm>>) dst(%arg11 : memref<8x1024xf32, #tpu.memory_space<vmem>>)
      %dma_wait3A_134 = arith.constant 0 : i32
      %dma_wait3A_135 = arith.constant 0 : i32
      %dma_wait3A_136 = arith.constant 0 : i32
      %dma_wait3A_137 = tpu.memref_slice %arg7[%dma_wait3A_134, %dma_wait3A_135, %dma_wait3A_136] : memref<2x8x1024xf32, #tpu.memory_space<vmem>> -> memref<1x8x1024xf32, #tpu.memory_space<vmem>>
      %dma_wait3A_138 = tpu.memref_squeeze %dma_wait3A_137 : memref<1x8x1024xf32, #tpu.memory_space<vmem>> -> memref<8x1024xf32, #tpu.memory_space<vmem>>
      %dma_wait3A_139 = arith.constant 0 : i32
      %dma_wait3A_140 = arith.constant 0 : i32
      %dma_wait3A_141 = tpu.memref_slice %arg4[%dma_wait3A_139, %dma_wait3A_140] : memref<2048x1024xf32, #tpu.memory_space<hbm>> -> memref<8x1024xf32, #tpu.memory_space<hbm>>
      %dma_wait3A_142 = arith.constant 0 : i32
      %dma_wait3A_143 = arith.constant 0 : i32
      %dma_wait3A_144 = tpu.memref_slice %arg7[%dma_wait3A_134, %dma_wait3A_142, %dma_wait3A_143] : memref<2x8x1024xf32, #tpu.memory_space<vmem>> -> memref<1x8x1024xf32, #tpu.memory_space<vmem>>
      %dma_wait3A_145 = tpu.memref_squeeze %dma_wait3A_144 : memref<1x8x1024xf32, #tpu.memory_space<vmem>> -> memref<8x1024xf32, #tpu.memory_space<vmem>>
      %dma_wait3A_146 = arith.constant 0 : i32
      %dma_wait3A_147 = arith.constant 0 : i32
      %dma_wait3A_148 = tpu.memref_slice %arg4[%dma_wait3A_146, %dma_wait3A_147] : memref<2048x1024xf32, #tpu.memory_space<hbm>> -> memref<8x1024xf32, #tpu.memory_space<hbm>>
      tpu.wait_dma2 semaphore(%arg32 : memref<!tpu.dma_semaphore, #tpu.memory_space<semaphore_mem>>) src(%dma_wait3A_148 : memref<8x1024xf32, #tpu.memory_space<hbm>>) dst(%dma_wait3A_145 : memref<8x1024xf32, #tpu.memory_space<vmem>>)
      %ge3A = arith.constant 1 : i32
      %ge3A_149 = arith.cmpi sge, %add3A_113, %ge3A : i32
      %convert_element_type3A = arith.extui %ge3A_149 : i1 to i32
      %cond3A = arith.constant 0 : i32
      %cond3A_150 = arith.cmpi ne, %convert_element_type3A, %cond3A : i32
      scf.if %cond3A_150 {
        %dma_wait3A_285 = arith.constant 0 : i32
        %dma_wait3A_286 = arith.constant 0 : i32
        %dma_wait3A_287 = tpu.memref_slice %arg5[%dma_wait3A_285, %dma_wait3A_286] : memref<8192x1024xf32, #tpu.memory_space<hbm>> -> memref<8x1024xf32, #tpu.memory_space<hbm>>
        %dma_wait3A_288 = arith.constant 0 : i32
        %dma_wait3A_289 = arith.constant 0 : i32
        %dma_wait3A_290 = tpu.memref_slice %arg5[%dma_wait3A_288, %dma_wait3A_289] : memref<8192x1024xf32, #tpu.memory_space<hbm>> -> memref<8x1024xf32, #tpu.memory_space<hbm>>
        tpu.wait_dma2 semaphore(%arg28 : memref<!tpu.dma_semaphore, #tpu.memory_space<semaphore_mem>>) src(%arg16 : memref<8x1024xf32, #tpu.memory_space<vmem>>) dst(%dma_wait3A_290 : memref<8x1024xf32, #tpu.memory_space<hbm>>)
        %dma_wait3A_291 = arith.constant 0 : i32
        %dma_wait3A_292 = arith.constant 0 : i32
        %dma_wait3A_293 = tpu.memref_slice %arg5[%dma_wait3A_291, %dma_wait3A_292] : memref<8192x1024xf32, #tpu.memory_space<hbm>> -> memref<8x1024xf32, #tpu.memory_space<hbm>>
        %dma_wait3A_294 = arith.constant 0 : i32
        %dma_wait3A_295 = arith.constant 0 : i32
        %dma_wait3A_296 = tpu.memref_slice %arg5[%dma_wait3A_294, %dma_wait3A_295] : memref<8192x1024xf32, #tpu.memory_space<hbm>> -> memref<8x1024xf32, #tpu.memory_space<hbm>>
        tpu.wait_dma2 semaphore(%arg29 : memref<!tpu.dma_semaphore, #tpu.memory_space<semaphore_mem>>) src(%arg17 : memref<8x1024xf32, #tpu.memory_space<vmem>>) dst(%dma_wait3A_296 : memref<8x1024xf32, #tpu.memory_space<hbm>>)
        %dma_wait3A_297 = arith.constant 0 : i32
        %dma_wait3A_298 = arith.constant 0 : i32
        %dma_wait3A_299 = tpu.memref_slice %arg5[%dma_wait3A_297, %dma_wait3A_298] : memref<8192x1024xf32, #tpu.memory_space<hbm>> -> memref<8x1024xf32, #tpu.memory_space<hbm>>
        %dma_wait3A_300 = arith.constant 0 : i32
        %dma_wait3A_301 = arith.constant 0 : i32
        %dma_wait3A_302 = tpu.memref_slice %arg5[%dma_wait3A_300, %dma_wait3A_301] : memref<8192x1024xf32, #tpu.memory_space<hbm>> -> memref<8x1024xf32, #tpu.memory_space<hbm>>
        tpu.wait_dma2 semaphore(%arg30 : memref<!tpu.dma_semaphore, #tpu.memory_space<semaphore_mem>>) src(%arg18 : memref<8x1024xf32, #tpu.memory_space<vmem>>) dst(%dma_wait3A_302 : memref<8x1024xf32, #tpu.memory_space<hbm>>)
        %dma_wait3A_303 = arith.constant 0 : i32
        %dma_wait3A_304 = arith.constant 0 : i32
        %dma_wait3A_305 = tpu.memref_slice %arg5[%dma_wait3A_303, %dma_wait3A_304] : memref<8192x1024xf32, #tpu.memory_space<hbm>> -> memref<8x1024xf32, #tpu.memory_space<hbm>>
        %dma_wait3A_306 = arith.constant 0 : i32
        %dma_wait3A_307 = arith.constant 0 : i32
        %dma_wait3A_308 = tpu.memref_slice %arg5[%dma_wait3A_306, %dma_wait3A_307] : memref<8192x1024xf32, #tpu.memory_space<hbm>> -> memref<8x1024xf32, #tpu.memory_space<hbm>>
        tpu.wait_dma2 semaphore(%arg31 : memref<!tpu.dma_semaphore, #tpu.memory_space<semaphore_mem>>) src(%arg19 : memref<8x1024xf32, #tpu.memory_space<vmem>>) dst(%dma_wait3A_308 : memref<8x1024xf32, #tpu.memory_space<hbm>>)
      } else {
      }
      %parallel_loop3A = arith.constant 0 : i32
      %parallel_loop3A_151 = arith.constant 512 : i32
      %parallel_loop3A_152 = arith.constant 1 : i32
      %parallel_loop3A_153 = arith.constant 0 : i32
      scf.for %parallel_loop3A_285 = %parallel_loop3A to %parallel_loop3A_151 step %parallel_loop3A_152  : i32 {
        %parallel_loop3A_286 = arith.constant 64 : i32
        %parallel_loop3A_287 = arith.divsi %parallel_loop3A_285, %parallel_loop3A_286 : i32
        %parallel_loop3A_288 = arith.constant 0 : i32
        %parallel_loop3A_289 = arith.cmpi sgt, %parallel_loop3A_285, %parallel_loop3A_288 : i32
        %parallel_loop3A_290 = arith.extui %parallel_loop3A_289 : i1 to i32
        %parallel_loop3A_291 = arith.constant 0 : i32
        %parallel_loop3A_292 = arith.cmpi slt, %parallel_loop3A_285, %parallel_loop3A_291 : i32
        %parallel_loop3A_293 = arith.extui %parallel_loop3A_292 : i1 to i32
        %parallel_loop3A_294 = arith.subi %parallel_loop3A_290, %parallel_loop3A_293 : i32
        %parallel_loop3A_295 = arith.constant 0 : i32
        %parallel_loop3A_296 = arith.cmpi sgt, %parallel_loop3A_286, %parallel_loop3A_295 : i32
        %parallel_loop3A_297 = arith.extui %parallel_loop3A_296 : i1 to i32
        %parallel_loop3A_298 = arith.constant 0 : i32
        %parallel_loop3A_299 = arith.cmpi slt, %parallel_loop3A_286, %parallel_loop3A_298 : i32
        %parallel_loop3A_300 = arith.extui %parallel_loop3A_299 : i1 to i32
        %parallel_loop3A_301 = arith.subi %parallel_loop3A_297, %parallel_loop3A_300 : i32
        %parallel_loop3A_302 = arith.cmpi ne, %parallel_loop3A_294, %parallel_loop3A_301 : i32
        %parallel_loop3A_303 = arith.remsi %parallel_loop3A_285, %parallel_loop3A_286 : i32
        %parallel_loop3A_304 = arith.constant 0 : i32
        %parallel_loop3A_305 = arith.cmpi ne, %parallel_loop3A_303, %parallel_loop3A_304 : i32
        %parallel_loop3A_306 = arith.andi %parallel_loop3A_302, %parallel_loop3A_305 : i1
        %parallel_loop3A_307 = arith.constant 1 : i32
        %parallel_loop3A_308 = arith.subi %parallel_loop3A_287, %parallel_loop3A_307 : i32
        %parallel_loop3A_309 = arith.select %parallel_loop3A_306, %parallel_loop3A_308, %parallel_loop3A_287 : i32
        %parallel_loop3A_310 = arith.constant 64 : i32
        %parallel_loop3A_311 = arith.constant 0 : i32
        %parallel_loop3A_312 = arith.cmpi eq, %parallel_loop3A_310, %parallel_loop3A_311 : i32
        %parallel_loop3A_313 = arith.constant 1 : i32
        %parallel_loop3A_314 = arith.select %parallel_loop3A_312, %parallel_loop3A_313, %parallel_loop3A_310 : i32
        %parallel_loop3A_315 = arith.remsi %parallel_loop3A_285, %parallel_loop3A_314 : i32
        %parallel_loop3A_316 = arith.constant 0 : i32
        %parallel_loop3A_317 = arith.cmpi ne, %parallel_loop3A_315, %parallel_loop3A_316 : i32
        %parallel_loop3A_318 = arith.constant 0 : i32
        %parallel_loop3A_319 = arith.cmpi slt, %parallel_loop3A_315, %parallel_loop3A_318 : i32
        %parallel_loop3A_320 = arith.constant 0 : i32
        %parallel_loop3A_321 = arith.cmpi slt, %parallel_loop3A_314, %parallel_loop3A_320 : i32
        %parallel_loop3A_322 = arith.xori %parallel_loop3A_319, %parallel_loop3A_321 : i1
        %parallel_loop3A_323 = arith.andi %parallel_loop3A_322, %parallel_loop3A_317 : i1
        %parallel_loop3A_324 = arith.addi %parallel_loop3A_315, %parallel_loop3A_314 : i32
        %parallel_loop3A_325 = arith.select %parallel_loop3A_323, %parallel_loop3A_324, %parallel_loop3A_315 : i32
        %parallel_loop3A_326 = arith.constant 16 : i32
        %parallel_loop3A_327 = arith.muli %parallel_loop3A_325, %parallel_loop3A_326 : i32
        %parallel_loop3A_328 = arith.constant 0 : i32
        %parallel_loop3A_329 = arith.constant 0 : i32
        %parallel_loop3A_330 = tpu.memref_slice %arg7[%parallel_loop3A_153, %parallel_loop3A_328, %parallel_loop3A_329] : memref<2x8x1024xf32, #tpu.memory_space<vmem>> -> memref<1x8x1024xf32, #tpu.memory_space<vmem>>
        %parallel_loop3A_331 = tpu.memref_squeeze %parallel_loop3A_330 : memref<1x8x1024xf32, #tpu.memory_space<vmem>> -> memref<8x1024xf32, #tpu.memory_space<vmem>>
        %parallel_loop3A_332 = arith.index_cast %parallel_loop3A_309 : i32 to index
        %parallel_loop3A_333 = arith.index_cast %parallel_loop3A_327 : i32 to index
        %parallel_loop3A_334 = tpu.vector_load %parallel_loop3A_331[%parallel_loop3A_332, %parallel_loop3A_333] {strides = array<i32>} : memref<8x1024xf32, #tpu.memory_space<vmem>>, vector<1x16xf32>,
        %parallel_loop3A_335 = vector.shape_cast %parallel_loop3A_334 : vector<1x16xf32> to vector<16xf32>
        %parallel_loop3A_336 = arith.index_cast %parallel_loop3A_309 : i32 to index
        %parallel_loop3A_337 = arith.index_cast %parallel_loop3A_327 : i32 to index
        %parallel_loop3A_338 = tpu.vector_load %arg8[%parallel_loop3A_336, %parallel_loop3A_337] {strides = array<i32>} : memref<8x1024xf32, #tpu.memory_space<vmem>>, vector<1x16xf32>,
        %parallel_loop3A_339 = vector.shape_cast %parallel_loop3A_338 : vector<1x16xf32> to vector<16xf32>
        %parallel_loop3A_340 = arith.constant 3.125000e-02 : f32
        %parallel_loop3A_341 = vector.broadcast %parallel_loop3A_340 : f32 to vector<16xf32>
        %parallel_loop3A_342 = arith.mulf %parallel_loop3A_339, %parallel_loop3A_341 : vector<16xf32>
        %parallel_loop3A_343 = arith.addf %parallel_loop3A_342, %parallel_loop3A_335 : vector<16xf32>
        %parallel_loop3A_344 = arith.index_cast %parallel_loop3A_309 : i32 to index
        %parallel_loop3A_345 = arith.index_cast %parallel_loop3A_327 : i32 to index
        %parallel_loop3A_346 = tpu.vector_load %arg16[%parallel_loop3A_344, %parallel_loop3A_345] {strides = array<i32>} : memref<8x1024xf32, #tpu.memory_space<vmem>>, vector<1x16xf32>,
        %parallel_loop3A_347 = vector.shape_cast %parallel_loop3A_346 : vector<1x16xf32> to vector<16xf32>
        %parallel_loop3A_348 = vector.shape_cast %parallel_loop3A_343 : vector<16xf32> to vector<1x16xf32>
        tpu.vector_store %arg16[%parallel_loop3A_344, %parallel_loop3A_345], %parallel_loop3A_348 {strides = array<i32>} : memref<8x1024xf32, #tpu.memory_space<vmem>>, vector<1x16xf32>,
        %parallel_loop3A_349 = arith.index_cast %parallel_loop3A_309 : i32 to index
        %parallel_loop3A_350 = arith.index_cast %parallel_loop3A_327 : i32 to index
        %parallel_loop3A_351 = tpu.vector_load %arg9[%parallel_loop3A_349, %parallel_loop3A_350] {strides = array<i32>} : memref<8x1024xf32, #tpu.memory_space<vmem>>, vector<1x16xf32>,
        %parallel_loop3A_352 = vector.shape_cast %parallel_loop3A_351 : vector<1x16xf32> to vector<16xf32>
        %parallel_loop3A_353 = arith.constant 3.125000e-02 : f32
        %parallel_loop3A_354 = vector.broadcast %parallel_loop3A_353 : f32 to vector<16xf32>
        %parallel_loop3A_355 = arith.mulf %parallel_loop3A_352, %parallel_loop3A_354 : vector<16xf32>
        %parallel_loop3A_356 = arith.addf %parallel_loop3A_355, %parallel_loop3A_335 : vector<16xf32>
        %parallel_loop3A_357 = arith.index_cast %parallel_loop3A_309 : i32 to index
        %parallel_loop3A_358 = arith.index_cast %parallel_loop3A_327 : i32 to index
        %parallel_loop3A_359 = tpu.vector_load %arg17[%parallel_loop3A_357, %parallel_loop3A_358] {strides = array<i32>} : memref<8x1024xf32, #tpu.memory_space<vmem>>, vector<1x16xf32>,
        %parallel_loop3A_360 = vector.shape_cast %parallel_loop3A_359 : vector<1x16xf32> to vector<16xf32>
        %parallel_loop3A_361 = vector.shape_cast %parallel_loop3A_356 : vector<16xf32> to vector<1x16xf32>
        tpu.vector_store %arg17[%parallel_loop3A_357, %parallel_loop3A_358], %parallel_loop3A_361 {strides = array<i32>} : memref<8x1024xf32, #tpu.memory_space<vmem>>, vector<1x16xf32>,
        %parallel_loop3A_362 = arith.index_cast %parallel_loop3A_309 : i32 to index
        %parallel_loop3A_363 = arith.index_cast %parallel_loop3A_327 : i32 to index
        %parallel_loop3A_364 = tpu.vector_load %arg10[%parallel_loop3A_362, %parallel_loop3A_363] {strides = array<i32>} : memref<8x1024xf32, #tpu.memory_space<vmem>>, vector<1x16xf32>,
        %parallel_loop3A_365 = vector.shape_cast %parallel_loop3A_364 : vector<1x16xf32> to vector<16xf32>
        %parallel_loop3A_366 = arith.constant 3.125000e-02 : f32
        %parallel_loop3A_367 = vector.broadcast %parallel_loop3A_366 : f32 to vector<16xf32>
        %parallel_loop3A_368 = arith.mulf %parallel_loop3A_365, %parallel_loop3A_367 : vector<16xf32>
        %parallel_loop3A_369 = arith.addf %parallel_loop3A_368, %parallel_loop3A_335 : vector<16xf32>
        %parallel_loop3A_370 = arith.index_cast %parallel_loop3A_309 : i32 to index
        %parallel_loop3A_371 = arith.index_cast %parallel_loop3A_327 : i32 to index
        %parallel_loop3A_372 = tpu.vector_load %arg18[%parallel_loop3A_370, %parallel_loop3A_371] {strides = array<i32>} : memref<8x1024xf32, #tpu.memory_space<vmem>>, vector<1x16xf32>,
        %parallel_loop3A_373 = vector.shape_cast %parallel_loop3A_372 : vector<1x16xf32> to vector<16xf32>
        %parallel_loop3A_374 = vector.shape_cast %parallel_loop3A_369 : vector<16xf32> to vector<1x16xf32>
        tpu.vector_store %arg18[%parallel_loop3A_370, %parallel_loop3A_371], %parallel_loop3A_374 {strides = array<i32>} : memref<8x1024xf32, #tpu.memory_space<vmem>>, vector<1x16xf32>,
        %parallel_loop3A_375 = arith.index_cast %parallel_loop3A_309 : i32 to index
        %parallel_loop3A_376 = arith.index_cast %parallel_loop3A_327 : i32 to index
        %parallel_loop3A_377 = tpu.vector_load %arg11[%parallel_loop3A_375, %parallel_loop3A_376] {strides = array<i32>} : memref<8x1024xf32, #tpu.memory_space<vmem>>, vector<1x16xf32>,
        %parallel_loop3A_378 = vector.shape_cast %parallel_loop3A_377 : vector<1x16xf32> to vector<16xf32>
        %parallel_loop3A_379 = arith.constant 3.125000e-02 : f32
        %parallel_loop3A_380 = vector.broadcast %parallel_loop3A_379 : f32 to vector<16xf32>
        %parallel_loop3A_381 = arith.mulf %parallel_loop3A_378, %parallel_loop3A_380 : vector<16xf32>
        %parallel_loop3A_382 = arith.addf %parallel_loop3A_381, %parallel_loop3A_335 : vector<16xf32>
        %parallel_loop3A_383 = arith.index_cast %parallel_loop3A_309 : i32 to index
        %parallel_loop3A_384 = arith.index_cast %parallel_loop3A_327 : i32 to index
        %parallel_loop3A_385 = tpu.vector_load %arg19[%parallel_loop3A_383, %parallel_loop3A_384] {strides = array<i32>} : memref<8x1024xf32, #tpu.memory_space<vmem>>, vector<1x16xf32>,
        %parallel_loop3A_386 = vector.shape_cast %parallel_loop3A_385 : vector<1x16xf32> to vector<16xf32>
        %parallel_loop3A_387 = vector.shape_cast %parallel_loop3A_382 : vector<16xf32> to vector<1x16xf32>
        tpu.vector_store %arg19[%parallel_loop3A_383, %parallel_loop3A_384], %parallel_loop3A_387 {strides = array<i32>} : memref<8x1024xf32, #tpu.memory_space<vmem>>, vector<1x16xf32>,
      } {sc.loop_unroll_factor = 8 : i64, sc.parallel_access}
      %add3A_154 = arith.constant 0 : i32
      %add3A_155 = arith.addi %add3A_154, %mul3A_2 : i32
      %mul3A_156 = arith.constant 8 : i32
      %mul3A_157 = arith.muli %add3A_113, %mul3A_156 : i32
      %add3A_158 = arith.addi %add3A_155, %mul3A_157 : i32
      %dma_start3A_159 = arith.constant 0 : i32
      %dma_start3A_160 = tpu.memref_slice %arg5[%add3A_158, %dma_start3A_159] : memref<8192x1024xf32, #tpu.memory_space<hbm>> -> memref<8x1024xf32, #tpu.memory_space<hbm>>
      %dma_start3A_161 = arith.constant 0 : i32
      %dma_start3A_162 = tpu.memref_slice %arg5[%add3A_158, %dma_start3A_161] : memref<8192x1024xf32, #tpu.memory_space<hbm>> -> memref<8x1024xf32, #tpu.memory_space<hbm>>
      tpu.enqueue_dma source(%arg16 : memref<8x1024xf32, #tpu.memory_space<vmem>>) target(%dma_start3A_162 : memref<8x1024xf32, #tpu.memory_space<hbm>>) target_semaphore(%arg28 : memref<!tpu.dma_semaphore, #tpu.memory_space<semaphore_mem>>)
      %add3A_163 = arith.constant 2048 : i32
      %add3A_164 = arith.addi %add3A_163, %mul3A_2 : i32
      %mul3A_165 = arith.constant 8 : i32
      %mul3A_166 = arith.muli %add3A_113, %mul3A_165 : i32
      %add3A_167 = arith.addi %add3A_164, %mul3A_166 : i32
      %dma_start3A_168 = arith.constant 0 : i32
      %dma_start3A_169 = tpu.memref_slice %arg5[%add3A_167, %dma_start3A_168] : memref<8192x1024xf32, #tpu.memory_space<hbm>> -> memref<8x1024xf32, #tpu.memory_space<hbm>>
      %dma_start3A_170 = arith.constant 0 : i32
      %dma_start3A_171 = tpu.memref_slice %arg5[%add3A_167, %dma_start3A_170] : memref<8192x1024xf32, #tpu.memory_space<hbm>> -> memref<8x1024xf32, #tpu.memory_space<hbm>>
      tpu.enqueue_dma source(%arg17 : memref<8x1024xf32, #tpu.memory_space<vmem>>) target(%dma_start3A_171 : memref<8x1024xf32, #tpu.memory_space<hbm>>) target_semaphore(%arg29 : memref<!tpu.dma_semaphore, #tpu.memory_space<semaphore_mem>>)
      %add3A_172 = arith.constant 4096 : i32
      %add3A_173 = arith.addi %add3A_172, %mul3A_2 : i32
      %mul3A_174 = arith.constant 8 : i32
      %mul3A_175 = arith.muli %add3A_113, %mul3A_174 : i32
      %add3A_176 = arith.addi %add3A_173, %mul3A_175 : i32
      %dma_start3A_177 = arith.constant 0 : i32
      %dma_start3A_178 = tpu.memref_slice %arg5[%add3A_176, %dma_start3A_177] : memref<8192x1024xf32, #tpu.memory_space<hbm>> -> memref<8x1024xf32, #tpu.memory_space<hbm>>
      %dma_start3A_179 = arith.constant 0 : i32
      %dma_start3A_180 = tpu.memref_slice %arg5[%add3A_176, %dma_start3A_179] : memref<8192x1024xf32, #tpu.memory_space<hbm>> -> memref<8x1024xf32, #tpu.memory_space<hbm>>
      tpu.enqueue_dma source(%arg18 : memref<8x1024xf32, #tpu.memory_space<vmem>>) target(%dma_start3A_180 : memref<8x1024xf32, #tpu.memory_space<hbm>>) target_semaphore(%arg30 : memref<!tpu.dma_semaphore, #tpu.memory_space<semaphore_mem>>)
      %add3A_181 = arith.constant 6144 : i32
      %add3A_182 = arith.addi %add3A_181, %mul3A_2 : i32
      %mul3A_183 = arith.constant 8 : i32
      %mul3A_184 = arith.muli %add3A_113, %mul3A_183 : i32
      %add3A_185 = arith.addi %add3A_182, %mul3A_184 : i32
      %dma_start3A_186 = arith.constant 0 : i32
      %dma_start3A_187 = tpu.memref_slice %arg5[%add3A_185, %dma_start3A_186] : memref<8192x1024xf32, #tpu.memory_space<hbm>> -> memref<8x1024xf32, #tpu.memory_space<hbm>>
      %dma_start3A_188 = arith.constant 0 : i32
      %dma_start3A_189 = tpu.memref_slice %arg5[%add3A_185, %dma_start3A_188] : memref<8192x1024xf32, #tpu.memory_space<hbm>> -> memref<8x1024xf32, #tpu.memory_space<hbm>>
      tpu.enqueue_dma source(%arg19 : memref<8x1024xf32, #tpu.memory_space<vmem>>) target(%dma_start3A_189 : memref<8x1024xf32, #tpu.memory_space<hbm>>) target_semaphore(%arg31 : memref<!tpu.dma_semaphore, #tpu.memory_space<semaphore_mem>>)
      %add3A_190 = arith.constant 2 : i32
      %add3A_191 = arith.addi %add3A_113, %add3A_190 : i32
      %lt3A = arith.constant 8 : i32
      %lt3A_192 = arith.cmpi slt, %add3A_191, %lt3A : i32
      %convert_element_type3A_193 = arith.extui %lt3A_192 : i1 to i32
      %cond3A_194 = arith.constant 0 : i32
      %cond3A_195 = arith.cmpi ne, %convert_element_type3A_193, %cond3A_194 : i32
      scf.if %cond3A_195 {
        %add3A_285 = arith.constant 2 : i32
        %add3A_286 = arith.addi %add3A_113, %add3A_285 : i32
        %mul3A_287 = arith.constant 8 : i32
        %mul3A_288 = arith.muli %add3A_286, %mul3A_287 : i32
        %add3A_289 = arith.addi %mul3A_2, %mul3A_288 : i32
        %dma_start3A_290 = arith.constant 0 : i32
        %dma_start3A_291 = arith.constant 0 : i32
        %dma_start3A_292 = arith.constant 0 : i32
        %dma_start3A_293 = tpu.memref_slice %arg7[%dma_start3A_290, %dma_start3A_291, %dma_start3A_292] : memref<2x8x1024xf32, #tpu.memory_space<vmem>> -> memref<1x8x1024xf32, #tpu.memory_space<vmem>>
        %dma_start3A_294 = tpu.memref_squeeze %dma_start3A_293 : memref<1x8x1024xf32, #tpu.memory_space<vmem>> -> memref<8x1024xf32, #tpu.memory_space<vmem>>
        %dma_start3A_295 = arith.constant 0 : i32
        %dma_start3A_296 = tpu.memref_slice %arg4[%add3A_289, %dma_start3A_295] : memref<2048x1024xf32, #tpu.memory_space<hbm>> -> memref<8x1024xf32, #tpu.memory_space<hbm>>
        %dma_start3A_297 = arith.constant 0 : i32
        %dma_start3A_298 = arith.constant 0 : i32
        %dma_start3A_299 = tpu.memref_slice %arg7[%dma_start3A_290, %dma_start3A_297, %dma_start3A_298] : memref<2x8x1024xf32, #tpu.memory_space<vmem>> -> memref<1x8x1024xf32, #tpu.memory_space<vmem>>
        %dma_start3A_300 = tpu.memref_squeeze %dma_start3A_299 : memref<1x8x1024xf32, #tpu.memory_space<vmem>> -> memref<8x1024xf32, #tpu.memory_space<vmem>>
        %dma_start3A_301 = arith.constant 0 : i32
        %dma_start3A_302 = tpu.memref_slice %arg4[%add3A_289, %dma_start3A_301] : memref<2048x1024xf32, #tpu.memory_space<hbm>> -> memref<8x1024xf32, #tpu.memory_space<hbm>>
        tpu.enqueue_dma source(%dma_start3A_302 : memref<8x1024xf32, #tpu.memory_space<hbm>>) target(%dma_start3A_300 : memref<8x1024xf32, #tpu.memory_space<vmem>>) target_semaphore(%arg32 : memref<!tpu.dma_semaphore, #tpu.memory_space<semaphore_mem>>)
        %add3A_303 = arith.constant 2 : i32
        %add3A_304 = arith.addi %add3A_113, %add3A_303 : i32
        %mul3A_305 = arith.constant 8 : i32
        %mul3A_306 = arith.muli %add3A_304, %mul3A_305 : i32
        %add3A_307 = arith.constant 0 : i32
        %add3A_308 = arith.addi %add3A_307, %mul3A_306 : i32
        %dma_start3A_309 = tpu.memref_slice %arg6[%add3A_308] : memref<256xi32, #tpu.memory_space<vmem>> -> memref<8xi32, #tpu.memory_space<vmem>>
        %dma_start3A_310 = arith.constant 0 : i32
        %dma_start3A_311 = arith.constant 0 : i32
        %dma_start3A_312 = tpu.memref_slice %arg3[%dma_start3A_310, %dma_start3A_311] : memref<100000x1024xf32, #tpu.memory_space<hbm>> -> memref<100000x1024xf32, #tpu.memory_space<hbm>>
        tpu.enqueue_indirect_dma source(%dma_start3A_312 : memref<100000x1024xf32, #tpu.memory_space<hbm>>) target(%arg8 : memref<8x1024xf32, #tpu.memory_space<vmem>>) offsets(%dma_start3A_309 : memref<8xi32, #tpu.memory_space<vmem>>) semaphore(%arg20 : memref<!tpu.dma_semaphore, #tpu.memory_space<semaphore_mem>>)
        %mul3A_313 = arith.constant 8 : i32
        %mul3A_314 = arith.muli %add3A_304, %mul3A_313 : i32
        %add3A_315 = arith.constant 64 : i32
        %add3A_316 = arith.addi %add3A_315, %mul3A_314 : i32
        %dma_start3A_317 = tpu.memref_slice %arg6[%add3A_316] : memref<256xi32, #tpu.memory_space<vmem>> -> memref<8xi32, #tpu.memory_space<vmem>>
        %dma_start3A_318 = arith.constant 0 : i32
        %dma_start3A_319 = arith.constant 0 : i32
        %dma_start3A_320 = tpu.memref_slice %arg3[%dma_start3A_318, %dma_start3A_319] : memref<100000x1024xf32, #tpu.memory_space<hbm>> -> memref<100000x1024xf32, #tpu.memory_space<hbm>>
        tpu.enqueue_indirect_dma source(%dma_start3A_320 : memref<100000x1024xf32, #tpu.memory_space<hbm>>) target(%arg9 : memref<8x1024xf32, #tpu.memory_space<vmem>>) offsets(%dma_start3A_317 : memref<8xi32, #tpu.memory_space<vmem>>) semaphore(%arg21 : memref<!tpu.dma_semaphore, #tpu.memory_space<semaphore_mem>>)
        %mul3A_321 = arith.constant 8 : i32
        %mul3A_322 = arith.muli %add3A_304, %mul3A_321 : i32
        %add3A_323 = arith.constant 128 : i32
        %add3A_324 = arith.addi %add3A_323, %mul3A_322 : i32
        %dma_start3A_325 = tpu.memref_slice %arg6[%add3A_324] : memref<256xi32, #tpu.memory_space<vmem>> -> memref<8xi32, #tpu.memory_space<vmem>>
        %dma_start3A_326 = arith.constant 0 : i32
        %dma_start3A_327 = arith.constant 0 : i32
        %dma_start3A_328 = tpu.memref_slice %arg3[%dma_start3A_326, %dma_start3A_327] : memref<100000x1024xf32, #tpu.memory_space<hbm>> -> memref<100000x1024xf32, #tpu.memory_space<hbm>>
        tpu.enqueue_indirect_dma source(%dma_start3A_328 : memref<100000x1024xf32, #tpu.memory_space<hbm>>) target(%arg10 : memref<8x1024xf32, #tpu.memory_space<vmem>>) offsets(%dma_start3A_325 : memref<8xi32, #tpu.memory_space<vmem>>) semaphore(%arg22 : memref<!tpu.dma_semaphore, #tpu.memory_space<semaphore_mem>>)
        %mul3A_329 = arith.constant 8 : i32
        %mul3A_330 = arith.muli %add3A_304, %mul3A_329 : i32
        %add3A_331 = arith.constant 192 : i32
        %add3A_332 = arith.addi %add3A_331, %mul3A_330 : i32
        %dma_start3A_333 = tpu.memref_slice %arg6[%add3A_332] : memref<256xi32, #tpu.memory_space<vmem>> -> memref<8xi32, #tpu.memory_space<vmem>>
        %dma_start3A_334 = arith.constant 0 : i32
        %dma_start3A_335 = arith.constant 0 : i32
        %dma_start3A_336 = tpu.memref_slice %arg3[%dma_start3A_334, %dma_start3A_335] : memref<100000x1024xf32, #tpu.memory_space<hbm>> -> memref<100000x1024xf32, #tpu.memory_space<hbm>>
        tpu.enqueue_indirect_dma source(%dma_start3A_336 : memref<100000x1024xf32, #tpu.memory_space<hbm>>) target(%arg11 : memref<8x1024xf32, #tpu.memory_space<vmem>>) offsets(%dma_start3A_333 : memref<8xi32, #tpu.memory_space<vmem>>) semaphore(%arg23 : memref<!tpu.dma_semaphore, #tpu.memory_space<semaphore_mem>>)
      } else {
      }
      %add3A_196 = arith.constant 1 : i32
      %add3A_197 = arith.addi %add3A_111, %add3A_196 : i32
      %dma_wait3A_198 = arith.constant 0 : i32
      %dma_wait3A_199 = tpu.memref_slice %arg6[%dma_wait3A_198] : memref<256xi32, #tpu.memory_space<vmem>> -> memref<8xi32, #tpu.memory_space<vmem>>
      %dma_wait3A_200 = arith.constant 0 : i32
      %dma_wait3A_201 = arith.constant 0 : i32
      %dma_wait3A_202 = tpu.memref_slice %arg3[%dma_wait3A_200, %dma_wait3A_201] : memref<100000x1024xf32, #tpu.memory_space<hbm>> -> memref<100000x1024xf32, #tpu.memory_space<hbm>>
      tpu.wait_indirect_dma semaphore(%arg24 : memref<!tpu.dma_semaphore, #tpu.memory_space<semaphore_mem>>) src(%dma_wait3A_202 : memref<100000x1024xf32, #tpu.memory_space<hbm>>) dst(%arg12 : memref<8x1024xf32, #tpu.memory_space<vmem>>)
      %dma_wait3A_203 = arith.constant 0 : i32
      %dma_wait3A_204 = tpu.memref_slice %arg6[%dma_wait3A_203] : memref<256xi32, #tpu.memory_space<vmem>> -> memref<8xi32, #tpu.memory_space<vmem>>
      %dma_wait3A_205 = arith.constant 0 : i32
      %dma_wait3A_206 = arith.constant 0 : i32
      %dma_wait3A_207 = tpu.memref_slice %arg3[%dma_wait3A_205, %dma_wait3A_206] : memref<100000x1024xf32, #tpu.memory_space<hbm>> -> memref<100000x1024xf32, #tpu.memory_space<hbm>>
      tpu.wait_indirect_dma semaphore(%arg25 : memref<!tpu.dma_semaphore, #tpu.memory_space<semaphore_mem>>) src(%dma_wait3A_207 : memref<100000x1024xf32, #tpu.memory_space<hbm>>) dst(%arg13 : memref<8x1024xf32, #tpu.memory_space<vmem>>)
      %dma_wait3A_208 = arith.constant 0 : i32
      %dma_wait3A_209 = tpu.memref_slice %arg6[%dma_wait3A_208] : memref<256xi32, #tpu.memory_space<vmem>> -> memref<8xi32, #tpu.memory_space<vmem>>
      %dma_wait3A_210 = arith.constant 0 : i32
      %dma_wait3A_211 = arith.constant 0 : i32
      %dma_wait3A_212 = tpu.memref_slice %arg3[%dma_wait3A_210, %dma_wait3A_211] : memref<100000x1024xf32, #tpu.memory_space<hbm>> -> memref<100000x1024xf32, #tpu.memory_space<hbm>>
      tpu.wait_indirect_dma semaphore(%arg26 : memref<!tpu.dma_semaphore, #tpu.memory_space<semaphore_mem>>) src(%dma_wait3A_212 : memref<100000x1024xf32, #tpu.memory_space<hbm>>) dst(%arg14 : memref<8x1024xf32, #tpu.memory_space<vmem>>)
      %dma_wait3A_213 = arith.constant 0 : i32
      %dma_wait3A_214 = tpu.memref_slice %arg6[%dma_wait3A_213] : memref<256xi32, #tpu.memory_space<vmem>> -> memref<8xi32, #tpu.memory_space<vmem>>
      %dma_wait3A_215 = arith.constant 0 : i32
      %dma_wait3A_216 = arith.constant 0 : i32
      %dma_wait3A_217 = tpu.memref_slice %arg3[%dma_wait3A_215, %dma_wait3A_216] : memref<100000x1024xf32, #tpu.memory_space<hbm>> -> memref<100000x1024xf32, #tpu.memory_space<hbm>>
      tpu.wait_indirect_dma semaphore(%arg27 : memref<!tpu.dma_semaphore, #tpu.memory_space<semaphore_mem>>) src(%dma_wait3A_217 : memref<100000x1024xf32, #tpu.memory_space<hbm>>) dst(%arg15 : memref<8x1024xf32, #tpu.memory_space<vmem>>)
      %dma_wait3A_218 = arith.constant 1 : i32
      %dma_wait3A_219 = arith.constant 0 : i32
      %dma_wait3A_220 = arith.constant 0 : i32
      %dma_wait3A_221 = tpu.memref_slice %arg7[%dma_wait3A_218, %dma_wait3A_219, %dma_wait3A_220] : memref<2x8x1024xf32, #tpu.memory_space<vmem>> -> memref<1x8x1024xf32, #tpu.memory_space<vmem>>
      %dma_wait3A_222 = tpu.memref_squeeze %dma_wait3A_221 : memref<1x8x1024xf32, #tpu.memory_space<vmem>> -> memref<8x1024xf32, #tpu.memory_space<vmem>>
      %dma_wait3A_223 = arith.constant 0 : i32
      %dma_wait3A_224 = arith.constant 0 : i32
      %dma_wait3A_225 = tpu.memref_slice %arg4[%dma_wait3A_223, %dma_wait3A_224] : memref<2048x1024xf32, #tpu.memory_space<hbm>> -> memref<8x1024xf32, #tpu.memory_space<hbm>>
      %dma_wait3A_226 = arith.constant 0 : i32
      %dma_wait3A_227 = arith.constant 0 : i32
      %dma_wait3A_228 = tpu.memref_slice %arg7[%dma_wait3A_218, %dma_wait3A_226, %dma_wait3A_227] : memref<2x8x1024xf32, #tpu.memory_space<vmem>> -> memref<1x8x1024xf32, #tpu.memory_space<vmem>>
      %dma_wait3A_229 = tpu.memref_squeeze %dma_wait3A_228 : memref<1x8x1024xf32, #tpu.memory_space<vmem>> -> memref<8x1024xf32, #tpu.memory_space<vmem>>
      %dma_wait3A_230 = arith.constant 0 : i32
      %dma_wait3A_231 = arith.constant 0 : i32
      %dma_wait3A_232 = tpu.memref_slice %arg4[%dma_wait3A_230, %dma_wait3A_231] : memref<2048x1024xf32, #tpu.memory_space<hbm>> -> memref<8x1024xf32, #tpu.memory_space<hbm>>
      tpu.wait_dma2 semaphore(%arg33 : memref<!tpu.dma_semaphore, #tpu.memory_space<semaphore_mem>>) src(%dma_wait3A_232 : memref<8x1024xf32, #tpu.memory_space<hbm>>) dst(%dma_wait3A_229 : memref<8x1024xf32, #tpu.memory_space<vmem>>)
      %ge3A_233 = arith.constant 1 : i32
      %ge3A_234 = arith.cmpi sge, %add3A_197, %ge3A_233 : i32
      %convert_element_type3A_235 = arith.extui %ge3A_234 : i1 to i32
      %cond3A_236 = arith.constant 0 : i32
      %cond3A_237 = arith.cmpi ne, %convert_element_type3A_235, %cond3A_236 : i32
      scf.if %cond3A_237 {
        %dma_wait3A_285 = arith.constant 0 : i32
        %dma_wait3A_286 = arith.constant 0 : i32
        %dma_wait3A_287 = tpu.memref_slice %arg5[%dma_wait3A_285, %dma_wait3A_286] : memref<8192x1024xf32, #tpu.memory_space<hbm>> -> memref<8x1024xf32, #tpu.memory_space<hbm>>
        %dma_wait3A_288 = arith.constant 0 : i32
        %dma_wait3A_289 = arith.constant 0 : i32
        %dma_wait3A_290 = tpu.memref_slice %arg5[%dma_wait3A_288, %dma_wait3A_289] : memref<8192x1024xf32, #tpu.memory_space<hbm>> -> memref<8x1024xf32, #tpu.memory_space<hbm>>
        tpu.wait_dma2 semaphore(%arg28 : memref<!tpu.dma_semaphore, #tpu.memory_space<semaphore_mem>>) src(%arg16 : memref<8x1024xf32, #tpu.memory_space<vmem>>) dst(%dma_wait3A_290 : memref<8x1024xf32, #tpu.memory_space<hbm>>)
        %dma_wait3A_291 = arith.constant 0 : i32
        %dma_wait3A_292 = arith.constant 0 : i32
        %dma_wait3A_293 = tpu.memref_slice %arg5[%dma_wait3A_291, %dma_wait3A_292] : memref<8192x1024xf32, #tpu.memory_space<hbm>> -> memref<8x1024xf32, #tpu.memory_space<hbm>>
        %dma_wait3A_294 = arith.constant 0 : i32
        %dma_wait3A_295 = arith.constant 0 : i32
        %dma_wait3A_296 = tpu.memref_slice %arg5[%dma_wait3A_294, %dma_wait3A_295] : memref<8192x1024xf32, #tpu.memory_space<hbm>> -> memref<8x1024xf32, #tpu.memory_space<hbm>>
        tpu.wait_dma2 semaphore(%arg29 : memref<!tpu.dma_semaphore, #tpu.memory_space<semaphore_mem>>) src(%arg17 : memref<8x1024xf32, #tpu.memory_space<vmem>>) dst(%dma_wait3A_296 : memref<8x1024xf32, #tpu.memory_space<hbm>>)
        %dma_wait3A_297 = arith.constant 0 : i32
        %dma_wait3A_298 = arith.constant 0 : i32
        %dma_wait3A_299 = tpu.memref_slice %arg5[%dma_wait3A_297, %dma_wait3A_298] : memref<8192x1024xf32, #tpu.memory_space<hbm>> -> memref<8x1024xf32, #tpu.memory_space<hbm>>
        %dma_wait3A_300 = arith.constant 0 : i32
        %dma_wait3A_301 = arith.constant 0 : i32
        %dma_wait3A_302 = tpu.memref_slice %arg5[%dma_wait3A_300, %dma_wait3A_301] : memref<8192x1024xf32, #tpu.memory_space<hbm>> -> memref<8x1024xf32, #tpu.memory_space<hbm>>
        tpu.wait_dma2 semaphore(%arg30 : memref<!tpu.dma_semaphore, #tpu.memory_space<semaphore_mem>>) src(%arg18 : memref<8x1024xf32, #tpu.memory_space<vmem>>) dst(%dma_wait3A_302 : memref<8x1024xf32, #tpu.memory_space<hbm>>)
        %dma_wait3A_303 = arith.constant 0 : i32
        %dma_wait3A_304 = arith.constant 0 : i32
        %dma_wait3A_305 = tpu.memref_slice %arg5[%dma_wait3A_303, %dma_wait3A_304] : memref<8192x1024xf32, #tpu.memory_space<hbm>> -> memref<8x1024xf32, #tpu.memory_space<hbm>>
        %dma_wait3A_306 = arith.constant 0 : i32
        %dma_wait3A_307 = arith.constant 0 : i32
        %dma_wait3A_308 = tpu.memref_slice %arg5[%dma_wait3A_306, %dma_wait3A_307] : memref<8192x1024xf32, #tpu.memory_space<hbm>> -> memref<8x1024xf32, #tpu.memory_space<hbm>>
        tpu.wait_dma2 semaphore(%arg31 : memref<!tpu.dma_semaphore, #tpu.memory_space<semaphore_mem>>) src(%arg19 : memref<8x1024xf32, #tpu.memory_space<vmem>>) dst(%dma_wait3A_308 : memref<8x1024xf32, #tpu.memory_space<hbm>>)
      } else {
      }
      %parallel_loop3A_238 = arith.constant 0 : i32
      %parallel_loop3A_239 = arith.constant 512 : i32
      %parallel_loop3A_240 = arith.constant 1 : i32
      %parallel_loop3A_241 = arith.constant 1 : i32
      scf.for %parallel_loop3A_285 = %parallel_loop3A_238 to %parallel_loop3A_239 step %parallel_loop3A_240  : i32 {
        %parallel_loop3A_286 = arith.constant 64 : i32
        %parallel_loop3A_287 = arith.divsi %parallel_loop3A_285, %parallel_loop3A_286 : i32
        %parallel_loop3A_288 = arith.constant 0 : i32
        %parallel_loop3A_289 = arith.cmpi sgt, %parallel_loop3A_285, %parallel_loop3A_288 : i32
        %parallel_loop3A_290 = arith.extui %parallel_loop3A_289 : i1 to i32
        %parallel_loop3A_291 = arith.constant 0 : i32
        %parallel_loop3A_292 = arith.cmpi slt, %parallel_loop3A_285, %parallel_loop3A_291 : i32
        %parallel_loop3A_293 = arith.extui %parallel_loop3A_292 : i1 to i32
        %parallel_loop3A_294 = arith.subi %parallel_loop3A_290, %parallel_loop3A_293 : i32
        %parallel_loop3A_295 = arith.constant 0 : i32
        %parallel_loop3A_296 = arith.cmpi sgt, %parallel_loop3A_286, %parallel_loop3A_295 : i32
        %parallel_loop3A_297 = arith.extui %parallel_loop3A_296 : i1 to i32
        %parallel_loop3A_298 = arith.constant 0 : i32
        %parallel_loop3A_299 = arith.cmpi slt, %parallel_loop3A_286, %parallel_loop3A_298 : i32
        %parallel_loop3A_300 = arith.extui %parallel_loop3A_299 : i1 to i32
        %parallel_loop3A_301 = arith.subi %parallel_loop3A_297, %parallel_loop3A_300 : i32
        %parallel_loop3A_302 = arith.cmpi ne, %parallel_loop3A_294, %parallel_loop3A_301 : i32
        %parallel_loop3A_303 = arith.remsi %parallel_loop3A_285, %parallel_loop3A_286 : i32
        %parallel_loop3A_304 = arith.constant 0 : i32
        %parallel_loop3A_305 = arith.cmpi ne, %parallel_loop3A_303, %parallel_loop3A_304 : i32
        %parallel_loop3A_306 = arith.andi %parallel_loop3A_302, %parallel_loop3A_305 : i1
        %parallel_loop3A_307 = arith.constant 1 : i32
        %parallel_loop3A_308 = arith.subi %parallel_loop3A_287, %parallel_loop3A_307 : i32
        %parallel_loop3A_309 = arith.select %parallel_loop3A_306, %parallel_loop3A_308, %parallel_loop3A_287 : i32
        %parallel_loop3A_310 = arith.constant 64 : i32
        %parallel_loop3A_311 = arith.constant 0 : i32
        %parallel_loop3A_312 = arith.cmpi eq, %parallel_loop3A_310, %parallel_loop3A_311 : i32
        %parallel_loop3A_313 = arith.constant 1 : i32
        %parallel_loop3A_314 = arith.select %parallel_loop3A_312, %parallel_loop3A_313, %parallel_loop3A_310 : i32
        %parallel_loop3A_315 = arith.remsi %parallel_loop3A_285, %parallel_loop3A_314 : i32
        %parallel_loop3A_316 = arith.constant 0 : i32
        %parallel_loop3A_317 = arith.cmpi ne, %parallel_loop3A_315, %parallel_loop3A_316 : i32
        %parallel_loop3A_318 = arith.constant 0 : i32
        %parallel_loop3A_319 = arith.cmpi slt, %parallel_loop3A_315, %parallel_loop3A_318 : i32
        %parallel_loop3A_320 = arith.constant 0 : i32
        %parallel_loop3A_321 = arith.cmpi slt, %parallel_loop3A_314, %parallel_loop3A_320 : i32
        %parallel_loop3A_322 = arith.xori %parallel_loop3A_319, %parallel_loop3A_321 : i1
        %parallel_loop3A_323 = arith.andi %parallel_loop3A_322, %parallel_loop3A_317 : i1
        %parallel_loop3A_324 = arith.addi %parallel_loop3A_315, %parallel_loop3A_314 : i32
        %parallel_loop3A_325 = arith.select %parallel_loop3A_323, %parallel_loop3A_324, %parallel_loop3A_315 : i32
        %parallel_loop3A_326 = arith.constant 16 : i32
        %parallel_loop3A_327 = arith.muli %parallel_loop3A_325, %parallel_loop3A_326 : i32
        %parallel_loop3A_328 = arith.constant 0 : i32
        %parallel_loop3A_329 = arith.constant 0 : i32
        %parallel_loop3A_330 = tpu.memref_slice %arg7[%parallel_loop3A_241, %parallel_loop3A_328, %parallel_loop3A_329] : memref<2x8x1024xf32, #tpu.memory_space<vmem>> -> memref<1x8x1024xf32, #tpu.memory_space<vmem>>
        %parallel_loop3A_331 = tpu.memref_squeeze %parallel_loop3A_330 : memref<1x8x1024xf32, #tpu.memory_space<vmem>> -> memref<8x1024xf32, #tpu.memory_space<vmem>>
        %parallel_loop3A_332 = arith.index_cast %parallel_loop3A_309 : i32 to index
        %parallel_loop3A_333 = arith.index_cast %parallel_loop3A_327 : i32 to index
        %parallel_loop3A_334 = tpu.vector_load %parallel_loop3A_331[%parallel_loop3A_332, %parallel_loop3A_333] {strides = array<i32>} : memref<8x1024xf32, #tpu.memory_space<vmem>>, vector<1x16xf32>,
        %parallel_loop3A_335 = vector.shape_cast %parallel_loop3A_334 : vector<1x16xf32> to vector<16xf32>
        %parallel_loop3A_336 = arith.index_cast %parallel_loop3A_309 : i32 to index
        %parallel_loop3A_337 = arith.index_cast %parallel_loop3A_327 : i32 to index
        %parallel_loop3A_338 = tpu.vector_load %arg12[%parallel_loop3A_336, %parallel_loop3A_337] {strides = array<i32>} : memref<8x1024xf32, #tpu.memory_space<vmem>>, vector<1x16xf32>,
        %parallel_loop3A_339 = vector.shape_cast %parallel_loop3A_338 : vector<1x16xf32> to vector<16xf32>
        %parallel_loop3A_340 = arith.constant 3.125000e-02 : f32
        %parallel_loop3A_341 = vector.broadcast %parallel_loop3A_340 : f32 to vector<16xf32>
        %parallel_loop3A_342 = arith.mulf %parallel_loop3A_339, %parallel_loop3A_341 : vector<16xf32>
        %parallel_loop3A_343 = arith.addf %parallel_loop3A_342, %parallel_loop3A_335 : vector<16xf32>
        %parallel_loop3A_344 = arith.index_cast %parallel_loop3A_309 : i32 to index
        %parallel_loop3A_345 = arith.index_cast %parallel_loop3A_327 : i32 to index
        %parallel_loop3A_346 = tpu.vector_load %arg16[%parallel_loop3A_344, %parallel_loop3A_345] {strides = array<i32>} : memref<8x1024xf32, #tpu.memory_space<vmem>>, vector<1x16xf32>,
        %parallel_loop3A_347 = vector.shape_cast %parallel_loop3A_346 : vector<1x16xf32> to vector<16xf32>
        %parallel_loop3A_348 = vector.shape_cast %parallel_loop3A_343 : vector<16xf32> to vector<1x16xf32>
        tpu.vector_store %arg16[%parallel_loop3A_344, %parallel_loop3A_345], %parallel_loop3A_348 {strides = array<i32>} : memref<8x1024xf32, #tpu.memory_space<vmem>>, vector<1x16xf32>,
        %parallel_loop3A_349 = arith.index_cast %parallel_loop3A_309 : i32 to index
        %parallel_loop3A_350 = arith.index_cast %parallel_loop3A_327 : i32 to index
        %parallel_loop3A_351 = tpu.vector_load %arg13[%parallel_loop3A_349, %parallel_loop3A_350] {strides = array<i32>} : memref<8x1024xf32, #tpu.memory_space<vmem>>, vector<1x16xf32>,
        %parallel_loop3A_352 = vector.shape_cast %parallel_loop3A_351 : vector<1x16xf32> to vector<16xf32>
        %parallel_loop3A_353 = arith.constant 3.125000e-02 : f32
        %parallel_loop3A_354 = vector.broadcast %parallel_loop3A_353 : f32 to vector<16xf32>
        %parallel_loop3A_355 = arith.mulf %parallel_loop3A_352, %parallel_loop3A_354 : vector<16xf32>
        %parallel_loop3A_356 = arith.addf %parallel_loop3A_355, %parallel_loop3A_335 : vector<16xf32>
        %parallel_loop3A_357 = arith.index_cast %parallel_loop3A_309 : i32 to index
        %parallel_loop3A_358 = arith.index_cast %parallel_loop3A_327 : i32 to index
        %parallel_loop3A_359 = tpu.vector_load %arg17[%parallel_loop3A_357, %parallel_loop3A_358] {strides = array<i32>} : memref<8x1024xf32, #tpu.memory_space<vmem>>, vector<1x16xf32>,
        %parallel_loop3A_360 = vector.shape_cast %parallel_loop3A_359 : vector<1x16xf32> to vector<16xf32>
        %parallel_loop3A_361 = vector.shape_cast %parallel_loop3A_356 : vector<16xf32> to vector<1x16xf32>
        tpu.vector_store %arg17[%parallel_loop3A_357, %parallel_loop3A_358], %parallel_loop3A_361 {strides = array<i32>} : memref<8x1024xf32, #tpu.memory_space<vmem>>, vector<1x16xf32>,
        %parallel_loop3A_362 = arith.index_cast %parallel_loop3A_309 : i32 to index
        %parallel_loop3A_363 = arith.index_cast %parallel_loop3A_327 : i32 to index
        %parallel_loop3A_364 = tpu.vector_load %arg14[%parallel_loop3A_362, %parallel_loop3A_363] {strides = array<i32>} : memref<8x1024xf32, #tpu.memory_space<vmem>>, vector<1x16xf32>,
        %parallel_loop3A_365 = vector.shape_cast %parallel_loop3A_364 : vector<1x16xf32> to vector<16xf32>
        %parallel_loop3A_366 = arith.constant 3.125000e-02 : f32
        %parallel_loop3A_367 = vector.broadcast %parallel_loop3A_366 : f32 to vector<16xf32>
        %parallel_loop3A_368 = arith.mulf %parallel_loop3A_365, %parallel_loop3A_367 : vector<16xf32>
        %parallel_loop3A_369 = arith.addf %parallel_loop3A_368, %parallel_loop3A_335 : vector<16xf32>
        %parallel_loop3A_370 = arith.index_cast %parallel_loop3A_309 : i32 to index
        %parallel_loop3A_371 = arith.index_cast %parallel_loop3A_327 : i32 to index
        %parallel_loop3A_372 = tpu.vector_load %arg18[%parallel_loop3A_370, %parallel_loop3A_371] {strides = array<i32>} : memref<8x1024xf32, #tpu.memory_space<vmem>>, vector<1x16xf32>,
        %parallel_loop3A_373 = vector.shape_cast %parallel_loop3A_372 : vector<1x16xf32> to vector<16xf32>
        %parallel_loop3A_374 = vector.shape_cast %parallel_loop3A_369 : vector<16xf32> to vector<1x16xf32>
        tpu.vector_store %arg18[%parallel_loop3A_370, %parallel_loop3A_371], %parallel_loop3A_374 {strides = array<i32>} : memref<8x1024xf32, #tpu.memory_space<vmem>>, vector<1x16xf32>,
        %parallel_loop3A_375 = arith.index_cast %parallel_loop3A_309 : i32 to index
        %parallel_loop3A_376 = arith.index_cast %parallel_loop3A_327 : i32 to index
        %parallel_loop3A_377 = tpu.vector_load %arg15[%parallel_loop3A_375, %parallel_loop3A_376] {strides = array<i32>} : memref<8x1024xf32, #tpu.memory_space<vmem>>, vector<1x16xf32>,
        %parallel_loop3A_378 = vector.shape_cast %parallel_loop3A_377 : vector<1x16xf32> to vector<16xf32>
        %parallel_loop3A_379 = arith.constant 3.125000e-02 : f32
        %parallel_loop3A_380 = vector.broadcast %parallel_loop3A_379 : f32 to vector<16xf32>
        %parallel_loop3A_381 = arith.mulf %parallel_loop3A_378, %parallel_loop3A_380 : vector<16xf32>
        %parallel_loop3A_382 = arith.addf %parallel_loop3A_381, %parallel_loop3A_335 : vector<16xf32>
        %parallel_loop3A_383 = arith.index_cast %parallel_loop3A_309 : i32 to index
        %parallel_loop3A_384 = arith.index_cast %parallel_loop3A_327 : i32 to index
        %parallel_loop3A_385 = tpu.vector_load %arg19[%parallel_loop3A_383, %parallel_loop3A_384] {strides = array<i32>} : memref<8x1024xf32, #tpu.memory_space<vmem>>, vector<1x16xf32>,
        %parallel_loop3A_386 = vector.shape_cast %parallel_loop3A_385 : vector<1x16xf32> to vector<16xf32>
        %parallel_loop3A_387 = vector.shape_cast %parallel_loop3A_382 : vector<16xf32> to vector<1x16xf32>
        tpu.vector_store %arg19[%parallel_loop3A_383, %parallel_loop3A_384], %parallel_loop3A_387 {strides = array<i32>} : memref<8x1024xf32, #tpu.memory_space<vmem>>, vector<1x16xf32>,
      } {sc.loop_unroll_factor = 8 : i64, sc.parallel_access}
      %add3A_242 = arith.constant 0 : i32
      %add3A_243 = arith.addi %add3A_242, %mul3A_2 : i32
      %mul3A_244 = arith.constant 8 : i32
      %mul3A_245 = arith.muli %add3A_197, %mul3A_244 : i32
      %add3A_246 = arith.addi %add3A_243, %mul3A_245 : i32
      %dma_start3A_247 = arith.constant 0 : i32
      %dma_start3A_248 = tpu.memref_slice %arg5[%add3A_246, %dma_start3A_247] : memref<8192x1024xf32, #tpu.memory_space<hbm>> -> memref<8x1024xf32, #tpu.memory_space<hbm>>
      %dma_start3A_249 = arith.constant 0 : i32
      %dma_start3A_250 = tpu.memref_slice %arg5[%add3A_246, %dma_start3A_249] : memref<8192x1024xf32, #tpu.memory_space<hbm>> -> memref<8x1024xf32, #tpu.memory_space<hbm>>
      tpu.enqueue_dma source(%arg16 : memref<8x1024xf32, #tpu.memory_space<vmem>>) target(%dma_start3A_250 : memref<8x1024xf32, #tpu.memory_space<hbm>>) target_semaphore(%arg28 : memref<!tpu.dma_semaphore, #tpu.memory_space<semaphore_mem>>)
      %add3A_251 = arith.constant 2048 : i32
      %add3A_252 = arith.addi %add3A_251, %mul3A_2 : i32
      %mul3A_253 = arith.constant 8 : i32
      %mul3A_254 = arith.muli %add3A_197, %mul3A_253 : i32
      %add3A_255 = arith.addi %add3A_252, %mul3A_254 : i32
      %dma_start3A_256 = arith.constant 0 : i32
      %dma_start3A_257 = tpu.memref_slice %arg5[%add3A_255, %dma_start3A_256] : memref<8192x1024xf32, #tpu.memory_space<hbm>> -> memref<8x1024xf32, #tpu.memory_space<hbm>>
      %dma_start3A_258 = arith.constant 0 : i32
      %dma_start3A_259 = tpu.memref_slice %arg5[%add3A_255, %dma_start3A_258] : memref<8192x1024xf32, #tpu.memory_space<hbm>> -> memref<8x1024xf32, #tpu.memory_space<hbm>>
      tpu.enqueue_dma source(%arg17 : memref<8x1024xf32, #tpu.memory_space<vmem>>) target(%dma_start3A_259 : memref<8x1024xf32, #tpu.memory_space<hbm>>) target_semaphore(%arg29 : memref<!tpu.dma_semaphore, #tpu.memory_space<semaphore_mem>>)
      %add3A_260 = arith.constant 4096 : i32
      %add3A_261 = arith.addi %add3A_260, %mul3A_2 : i32
      %mul3A_262 = arith.constant 8 : i32
      %mul3A_263 = arith.muli %add3A_197, %mul3A_262 : i32
      %add3A_264 = arith.addi %add3A_261, %mul3A_263 : i32
      %dma_start3A_265 = arith.constant 0 : i32
      %dma_start3A_266 = tpu.memref_slice %arg5[%add3A_264, %dma_start3A_265] : memref<8192x1024xf32, #tpu.memory_space<hbm>> -> memref<8x1024xf32, #tpu.memory_space<hbm>>
      %dma_start3A_267 = arith.constant 0 : i32
      %dma_start3A_268 = tpu.memref_slice %arg5[%add3A_264, %dma_start3A_267] : memref<8192x1024xf32, #tpu.memory_space<hbm>> -> memref<8x1024xf32, #tpu.memory_space<hbm>>
      tpu.enqueue_dma source(%arg18 : memref<8x1024xf32, #tpu.memory_space<vmem>>) target(%dma_start3A_268 : memref<8x1024xf32, #tpu.memory_space<hbm>>) target_semaphore(%arg30 : memref<!tpu.dma_semaphore, #tpu.memory_space<semaphore_mem>>)
      %add3A_269 = arith.constant 6144 : i32
      %add3A_270 = arith.addi %add3A_269, %mul3A_2 : i32
      %mul3A_271 = arith.constant 8 : i32
      %mul3A_272 = arith.muli %add3A_197, %mul3A_271 : i32
      %add3A_273 = arith.addi %add3A_270, %mul3A_272 : i32
      %dma_start3A_274 = arith.constant 0 : i32
      %dma_start3A_275 = tpu.memref_slice %arg5[%add3A_273, %dma_start3A_274] : memref<8192x1024xf32, #tpu.memory_space<hbm>> -> memref<8x1024xf32, #tpu.memory_space<hbm>>
      %dma_start3A_276 = arith.constant 0 : i32
      %dma_start3A_277 = tpu.memref_slice %arg5[%add3A_273, %dma_start3A_276] : memref<8192x1024xf32, #tpu.memory_space<hbm>> -> memref<8x1024xf32, #tpu.memory_space<hbm>>
      tpu.enqueue_dma source(%arg19 : memref<8x1024xf32, #tpu.memory_space<vmem>>) target(%dma_start3A_277 : memref<8x1024xf32, #tpu.memory_space<hbm>>) target_semaphore(%arg31 : memref<!tpu.dma_semaphore, #tpu.memory_space<semaphore_mem>>)
      %add3A_278 = arith.constant 2 : i32
      %add3A_279 = arith.addi %add3A_197, %add3A_278 : i32
      %lt3A_280 = arith.constant 8 : i32
      %lt3A_281 = arith.cmpi slt, %add3A_279, %lt3A_280 : i32
      %convert_element_type3A_282 = arith.extui %lt3A_281 : i1 to i32
      %cond3A_283 = arith.constant 0 : i32
      %cond3A_284 = arith.cmpi ne, %convert_element_type3A_282, %cond3A_283 : i32
      scf.if %cond3A_284 {
        %add3A_285 = arith.constant 2 : i32
        %add3A_286 = arith.addi %add3A_197, %add3A_285 : i32
        %mul3A_287 = arith.constant 8 : i32
        %mul3A_288 = arith.muli %add3A_286, %mul3A_287 : i32
        %add3A_289 = arith.addi %mul3A_2, %mul3A_288 : i32
        %dma_start3A_290 = arith.constant 1 : i32
        %dma_start3A_291 = arith.constant 0 : i32
        %dma_start3A_292 = arith.constant 0 : i32
        %dma_start3A_293 = tpu.memref_slice %arg7[%dma_start3A_290, %dma_start3A_291, %dma_start3A_292] : memref<2x8x1024xf32, #tpu.memory_space<vmem>> -> memref<1x8x1024xf32, #tpu.memory_space<vmem>>
        %dma_start3A_294 = tpu.memref_squeeze %dma_start3A_293 : memref<1x8x1024xf32, #tpu.memory_space<vmem>> -> memref<8x1024xf32, #tpu.memory_space<vmem>>
        %dma_start3A_295 = arith.constant 0 : i32
        %dma_start3A_296 = tpu.memref_slice %arg4[%add3A_289, %dma_start3A_295] : memref<2048x1024xf32, #tpu.memory_space<hbm>> -> memref<8x1024xf32, #tpu.memory_space<hbm>>
        %dma_start3A_297 = arith.constant 0 : i32
        %dma_start3A_298 = arith.constant 0 : i32
        %dma_start3A_299 = tpu.memref_slice %arg7[%dma_start3A_290, %dma_start3A_297, %dma_start3A_298] : memref<2x8x1024xf32, #tpu.memory_space<vmem>> -> memref<1x8x1024xf32, #tpu.memory_space<vmem>>
        %dma_start3A_300 = tpu.memref_squeeze %dma_start3A_299 : memref<1x8x1024xf32, #tpu.memory_space<vmem>> -> memref<8x1024xf32, #tpu.memory_space<vmem>>
        %dma_start3A_301 = arith.constant 0 : i32
        %dma_start3A_302 = tpu.memref_slice %arg4[%add3A_289, %dma_start3A_301] : memref<2048x1024xf32, #tpu.memory_space<hbm>> -> memref<8x1024xf32, #tpu.memory_space<hbm>>
        tpu.enqueue_dma source(%dma_start3A_302 : memref<8x1024xf32, #tpu.memory_space<hbm>>) target(%dma_start3A_300 : memref<8x1024xf32, #tpu.memory_space<vmem>>) target_semaphore(%arg33 : memref<!tpu.dma_semaphore, #tpu.memory_space<semaphore_mem>>)
        %add3A_303 = arith.constant 2 : i32
        %add3A_304 = arith.addi %add3A_197, %add3A_303 : i32
        %mul3A_305 = arith.constant 8 : i32
        %mul3A_306 = arith.muli %add3A_304, %mul3A_305 : i32
        %add3A_307 = arith.constant 0 : i32
        %add3A_308 = arith.addi %add3A_307, %mul3A_306 : i32
        %dma_start3A_309 = tpu.memref_slice %arg6[%add3A_308] : memref<256xi32, #tpu.memory_space<vmem>> -> memref<8xi32, #tpu.memory_space<vmem>>
        %dma_start3A_310 = arith.constant 0 : i32
        %dma_start3A_311 = arith.constant 0 : i32
        %dma_start3A_312 = tpu.memref_slice %arg3[%dma_start3A_310, %dma_start3A_311] : memref<100000x1024xf32, #tpu.memory_space<hbm>> -> memref<100000x1024xf32, #tpu.memory_space<hbm>>
        tpu.enqueue_indirect_dma source(%dma_start3A_312 : memref<100000x1024xf32, #tpu.memory_space<hbm>>) target(%arg12 : memref<8x1024xf32, #tpu.memory_space<vmem>>) offsets(%dma_start3A_309 : memref<8xi32, #tpu.memory_space<vmem>>) semaphore(%arg24 : memref<!tpu.dma_semaphore, #tpu.memory_space<semaphore_mem>>)
        %mul3A_313 = arith.constant 8 : i32
        %mul3A_314 = arith.muli %add3A_304, %mul3A_313 : i32
        %add3A_315 = arith.constant 64 : i32
        %add3A_316 = arith.addi %add3A_315, %mul3A_314 : i32
        %dma_start3A_317 = tpu.memref_slice %arg6[%add3A_316] : memref<256xi32, #tpu.memory_space<vmem>> -> memref<8xi32, #tpu.memory_space<vmem>>
        %dma_start3A_318 = arith.constant 0 : i32
        %dma_start3A_319 = arith.constant 0 : i32
        %dma_start3A_320 = tpu.memref_slice %arg3[%dma_start3A_318, %dma_start3A_319] : memref<100000x1024xf32, #tpu.memory_space<hbm>> -> memref<100000x1024xf32, #tpu.memory_space<hbm>>
        tpu.enqueue_indirect_dma source(%dma_start3A_320 : memref<100000x1024xf32, #tpu.memory_space<hbm>>) target(%arg13 : memref<8x1024xf32, #tpu.memory_space<vmem>>) offsets(%dma_start3A_317 : memref<8xi32, #tpu.memory_space<vmem>>) semaphore(%arg25 : memref<!tpu.dma_semaphore, #tpu.memory_space<semaphore_mem>>)
        %mul3A_321 = arith.constant 8 : i32
        %mul3A_322 = arith.muli %add3A_304, %mul3A_321 : i32
        %add3A_323 = arith.constant 128 : i32
        %add3A_324 = arith.addi %add3A_323, %mul3A_322 : i32
        %dma_start3A_325 = tpu.memref_slice %arg6[%add3A_324] : memref<256xi32, #tpu.memory_space<vmem>> -> memref<8xi32, #tpu.memory_space<vmem>>
        %dma_start3A_326 = arith.constant 0 : i32
        %dma_start3A_327 = arith.constant 0 : i32
        %dma_start3A_328 = tpu.memref_slice %arg3[%dma_start3A_326, %dma_start3A_327] : memref<100000x1024xf32, #tpu.memory_space<hbm>> -> memref<100000x1024xf32, #tpu.memory_space<hbm>>
        tpu.enqueue_indirect_dma source(%dma_start3A_328 : memref<100000x1024xf32, #tpu.memory_space<hbm>>) target(%arg14 : memref<8x1024xf32, #tpu.memory_space<vmem>>) offsets(%dma_start3A_325 : memref<8xi32, #tpu.memory_space<vmem>>) semaphore(%arg26 : memref<!tpu.dma_semaphore, #tpu.memory_space<semaphore_mem>>)
        %mul3A_329 = arith.constant 8 : i32
        %mul3A_330 = arith.muli %add3A_304, %mul3A_329 : i32
        %add3A_331 = arith.constant 192 : i32
        %add3A_332 = arith.addi %add3A_331, %mul3A_330 : i32
        %dma_start3A_333 = tpu.memref_slice %arg6[%add3A_332] : memref<256xi32, #tpu.memory_space<vmem>> -> memref<8xi32, #tpu.memory_space<vmem>>
        %dma_start3A_334 = arith.constant 0 : i32
        %dma_start3A_335 = arith.constant 0 : i32
        %dma_start3A_336 = tpu.memref_slice %arg3[%dma_start3A_334, %dma_start3A_335] : memref<100000x1024xf32, #tpu.memory_space<hbm>> -> memref<100000x1024xf32, #tpu.memory_space<hbm>>
        tpu.enqueue_indirect_dma source(%dma_start3A_336 : memref<100000x1024xf32, #tpu.memory_space<hbm>>) target(%arg15 : memref<8x1024xf32, #tpu.memory_space<vmem>>) offsets(%dma_start3A_333 : memref<8xi32, #tpu.memory_space<vmem>>) semaphore(%arg27 : memref<!tpu.dma_semaphore, #tpu.memory_space<semaphore_mem>>)
      } else {
      }
    }
    %scan3A_83 = arith.constant 4 : i32
    %dma_wait3A = arith.constant 0 : i32
    %dma_wait3A_84 = arith.constant 0 : i32
    %dma_wait3A_85 = tpu.memref_slice %arg5[%dma_wait3A, %dma_wait3A_84] : memref<8192x1024xf32, #tpu.memory_space<hbm>> -> memref<8x1024xf32, #tpu.memory_space<hbm>>
    %dma_wait3A_86 = arith.constant 0 : i32
    %dma_wait3A_87 = arith.constant 0 : i32
    %dma_wait3A_88 = tpu.memref_slice %arg5[%dma_wait3A_86, %dma_wait3A_87] : memref<8192x1024xf32, #tpu.memory_space<hbm>> -> memref<8x1024xf32, #tpu.memory_space<hbm>>
    tpu.wait_dma2 semaphore(%arg28 : memref<!tpu.dma_semaphore, #tpu.memory_space<semaphore_mem>>) src(%arg16 : memref<8x1024xf32, #tpu.memory_space<vmem>>) dst(%dma_wait3A_88 : memref<8x1024xf32, #tpu.memory_space<hbm>>)
    %dma_wait3A_89 = arith.constant 0 : i32
    %dma_wait3A_90 = arith.constant 0 : i32
    %dma_wait3A_91 = tpu.memref_slice %arg5[%dma_wait3A_89, %dma_wait3A_90] : memref<8192x1024xf32, #tpu.memory_space<hbm>> -> memref<8x1024xf32, #tpu.memory_space<hbm>>
    %dma_wait3A_92 = arith.constant 0 : i32
    %dma_wait3A_93 = arith.constant 0 : i32
    %dma_wait3A_94 = tpu.memref_slice %arg5[%dma_wait3A_92, %dma_wait3A_93] : memref<8192x1024xf32, #tpu.memory_space<hbm>> -> memref<8x1024xf32, #tpu.memory_space<hbm>>
    tpu.wait_dma2 semaphore(%arg29 : memref<!tpu.dma_semaphore, #tpu.memory_space<semaphore_mem>>) src(%arg17 : memref<8x1024xf32, #tpu.memory_space<vmem>>) dst(%dma_wait3A_94 : memref<8x1024xf32, #tpu.memory_space<hbm>>)
    %dma_wait3A_95 = arith.constant 0 : i32
    %dma_wait3A_96 = arith.constant 0 : i32
    %dma_wait3A_97 = tpu.memref_slice %arg5[%dma_wait3A_95, %dma_wait3A_96] : memref<8192x1024xf32, #tpu.memory_space<hbm>> -> memref<8x1024xf32, #tpu.memory_space<hbm>>
    %dma_wait3A_98 = arith.constant 0 : i32
    %dma_wait3A_99 = arith.constant 0 : i32
    %dma_wait3A_100 = tpu.memref_slice %arg5[%dma_wait3A_98, %dma_wait3A_99] : memref<8192x1024xf32, #tpu.memory_space<hbm>> -> memref<8x1024xf32, #tpu.memory_space<hbm>>
    tpu.wait_dma2 semaphore(%arg30 : memref<!tpu.dma_semaphore, #tpu.memory_space<semaphore_mem>>) src(%arg18 : memref<8x1024xf32, #tpu.memory_space<vmem>>) dst(%dma_wait3A_100 : memref<8x1024xf32, #tpu.memory_space<hbm>>)
    %dma_wait3A_101 = arith.constant 0 : i32
    %dma_wait3A_102 = arith.constant 0 : i32
    %dma_wait3A_103 = tpu.memref_slice %arg5[%dma_wait3A_101, %dma_wait3A_102] : memref<8192x1024xf32, #tpu.memory_space<hbm>> -> memref<8x1024xf32, #tpu.memory_space<hbm>>
    %dma_wait3A_104 = arith.constant 0 : i32
    %dma_wait3A_105 = arith.constant 0 : i32
    %dma_wait3A_106 = tpu.memref_slice %arg5[%dma_wait3A_104, %dma_wait3A_105] : memref<8192x1024xf32, #tpu.memory_space<hbm>> -> memref<8x1024xf32, #tpu.memory_space<hbm>>
    tpu.wait_dma2 semaphore(%arg31 : memref<!tpu.dma_semaphore, #tpu.memory_space<semaphore_mem>>) src(%arg19 : memref<8x1024xf32, #tpu.memory_space<vmem>>) dst(%dma_wait3A_106 : memref<8x1024xf32, #tpu.memory_space<hbm>>)
    return
  }
}

</mosaic_0001>

<sc_bundles>
// kernel: kernel.3.cloned.1.call-start
scs
__scs_entry_jumppad:
0x0: {  	(pc) =	sbr.rel $0x88, $3  }
0x1: {  	(tag) =	ssettag $0x0;
	lr =	simm.s32 $0x1  }
0x2: {  	[smem:$0x3F9E] =	sst lr;
	_ =	strace $0xD0000000  }
0x3: {  	_ = 	snop  }
0x4: {  	_ = 	snop  }
0x5: {  	_ = 	snop  }
0x6: {  	_ = 	snop  }
0x7: {  	_ = 	snop  }
__scs_overlays_trampoline_lowered:
0x8: {  	[smem:$0x3FAD] =	sst s0  }
0x9: {  	[smem:$0x3FAE] =	sst s1  }
0xa: {  	[smem:$0x3FAF] =	sst s2  }
0xb: {  	[smem:$0x3FB0] =	sst s3  }
0xc: {  	[smem:$0x3FB1] =	sst s4  }
0xd: {  	[smem:$0x3FB2] =	sst s5  }
0xe: {  	[smem:$0x3FB3] =	sst s6  }
0xf: {  	[smem:$0x3FB4] =	sst s7  }
0x10: {  	[smem:$0x3FB5] =	sst s8  }
0x11: {  	[smem:$0x3FB6] =	sst s9;
	s0 =	simm.s32 @!p0 $0x0  }
0x12: {  	s1 =	sld [smem:$0x3F9C];
	s0 =	simm.s32 @p0 $0x1  }
0x13: {  	[smem:$0x3FB7] =	sst s0;
	s0 =	simm.s32 @!p1 $0x0  }
0x14: {  	s2 =	sld [smem:$0x3F9B];
	s0 =	simm.s32 @p1 $0x1  }
0x15: {  	[smem:$0x3FB8] =	sst s0;
	s0 =	simm.s32 @!p2 $0x0  }
0x16: {  	s3 =	sld [smem:$0x3FDB];
	s0 =	simm.s32 @p2 $0x1  }
0x17: {  	s4 =	simm.s32 $0x1BF5;
	[smem:$0x3FBA] =	sst s0  }
0x18: {  	s0 =	sld [smem:$0x3F9D];
	_ =	swait.ge [sflag:s4], $0x0  }
0x19: {  	s7 =	sld [smem:$0x3F9E]  }
0x1a: {  	s8 =	sadd.s32 $0xFFFFE003, lr  }
0x1b: {  	s9 =	sadd.s32 $0xFFFFFEF7, lr;
	s5 =	simm.s32 $0xFFFFFFFF;
	p2 =	slt.u32 s8, $0xFFFFF086  }
0x1c: {  	p1 =	slt.u32 s9, $0xF7A;
	s5 =	simm.s32 @!p2 $0x0  }
0x1d: {  	s5 =	simm.s32 @p1 $0x1;
	p0 =	seq.s32 s7, s2  }
0x1e: {  	s7 =	smul.u32 @!p0 $0xF7A, s2;
	p2 =	seq.s32 @!p0 s5, $0x0  }
0x1f: {  	s9 =	smul.u32 $0xF7A, s1;
	s8 =	simm.s32 @!p0 $0x1BF5;
	p2 =	por !p2, p0  }
0x20: {  	[sflag:s8] =	ssyncset.s32 @!p0 $0xFFFFF086;
	s6 =	sadd.s32 @!p0 s3, s7;
	s7 =	simm.s32 @!p0 $0x108  }
0x21: {  	s3 =	sadd.s32 s3, s9;
	s6 =	sadd.s32 @!p0 $0x88, s6;
	s7 =	simm.s32 @p2 $0x1082  }
0x22: {  	[simem:s7], [sflag:s8] =	dma.local @!p0 [hbm:s6], $0xF7A  }
0x23: {  	s9 =	sor.u32 $0xD0000000, s2;
	s6 =	simm.s32 $0x108;
	_ =	swait.ge @!p0 [sflag:s8], $0x0  }
0x24: {  	s3 =	sadd.s32 $0x88, s3;
	s6 =	simm.s32 @!p1 $0x1082;
	[sflag:s4] =	ssyncset.s32 $0xFFFFF086  }
0x25: {  	[simem:s6], [sflag:s4] =	dma.local [hbm:s3], $0xF7A  }
0x26: {  	[smem:$0x3F9E] =	sst s1;
	(tag) =	ssettag s2;
	_ =	strace s9  }
0x27: {  	s1 =	sld [smem:$0x3FAE]  }
0x28: {  	s2 =	sld [smem:$0x3FAF]  }
0x29: {  	s4 =	sld [smem:$0x3FB1]  }
0x2a: {  	p0 =	seq.s32 s5, $0x0;
	s5 =	sld [smem:$0x3FB2]  }
0x2b: {  	s6 =	sld [smem:$0x3FB3]  }
0x2c: {  	s7 =	sld [smem:$0x3FB4]  }
0x2d: {  	s3 =	simm.s32 $0x108;
	s8 =	sld [smem:$0x3FB5]  }
0x2e: {  	s3 =	simm.s32 @!p0 $0x1082;
	s9 =	sld [smem:$0x3FB6]  }
0x2f: {  	lr =	sadd.s32 s0, s3;
	s0 =	sld [smem:$0x3FAD]  }
0x30: {  	s3 =	sld [smem:$0x3FB0]  }
0x31: {  	[smem:$0x3FB9] =	sst s10  }
0x32: {  	s10 =	sld [smem:$0x3FB7];
	_ =	sdelay $0x3  }
0x33: {  	p0 =	seq.s32 s10, $0x1;
	s10 =	sld [smem:$0x3FB9];
	_ =	sdelay $0x3  }
0x34: {  	[smem:$0x3FB9] =	sst s10  }
0x35: {  	s10 =	sld [smem:$0x3FB8];
	_ =	sdelay $0x3  }
0x36: {  	p1 =	seq.s32 s10, $0x1;
	s10 =	sld [smem:$0x3FB9];
	_ =	sdelay $0x3  }
0x37: {  	[smem:$0x3FB9] =	sst s10  }
0x38: {  	s10 =	sld [smem:$0x3FBA]  }
0x39: {  	_ = 	snop;
	(pc) =	sbr.ind lr, $3  }
0x3a: {  	_ = 	snop  }
0x3b: {  	_ = 	snop  }
0x3c: {  	p2 =	seq.s32 s10, $0x1;
	s10 =	sld [smem:$0x3FB9]  }
0x3d: {  	_ =	shalt  }
0x3e: {  	_ =	shalt  }
0x3f: {  	_ =	shalt  }
0x40: {  	_ =	shalt  }
0x41: {  	_ =	shalt  }
0x42: {  	_ =	shalt  }
0x43: {  	_ =	shalt  }
0x44: {  	_ =	shalt  }
0x45: {  	_ =	shalt  }
0x46: {  	_ =	shalt  }
0x47: {  	_ =	shalt  }
0x48: {  	_ =	shalt  }
0x49: {  	_ =	shalt  }
0x4a: {  	_ =	shalt  }
0x4b: {  	_ =	shalt  }
0x4c: {  	_ =	shalt  }
0x4d: {  	_ =	shalt  }
0x4e: {  	_ =	shalt  }
0x4f: {  	_ =	shalt  }
0x50: {  	_ =	shalt  }
0x51: {  	_ =	shalt  }
0x52: {  	_ =	shalt  }
0x53: {  	_ =	shalt  }
0x54: {  	_ =	shalt  }
0x55: {  	_ =	shalt  }
0x56: {  	_ =	shalt  }
0x57: {  	_ =	shalt  }
0x58: {  	_ =	shalt  }
0x59: {  	_ =	shalt  }
0x5a: {  	_ =	shalt  }
0x5b: {  	_ =	shalt  }
0x5c: {  	_ =	shalt  }
0x5d: {  	_ =	shalt  }
0x5e: {  	_ =	shalt  }
0x5f: {  	_ =	shalt  }
0x60: {  	_ =	shalt  }
0x61: {  	_ =	shalt  }
0x62: {  	_ =	shalt  }
0x63: {  	_ =	shalt  }
0x64: {  	_ =	shalt  }
0x65: {  	_ =	shalt  }
0x66: {  	_ =	shalt  }
0x67: {  	_ =	shalt  }
0x68: {  	_ =	shalt  }
0x69: {  	_ =	shalt  }
0x6a: {  	_ =	shalt  }
0x6b: {  	_ =	shalt  }
0x6c: {  	_ =	shalt  }
0x6d: {  	_ =	shalt  }
0x6e: {  	_ =	shalt  }
0x6f: {  	_ =	shalt  }
0x70: {  	_ =	shalt  }
0x71: {  	_ =	shalt  }
0x72: {  	_ =	shalt  }
0x73: {  	_ =	shalt  }
0x74: {  	_ =	shalt  }
0x75: {  	_ =	shalt  }
0x76: {  	_ =	shalt  }
0x77: {  	_ =	shalt  }
0x78: {  	_ =	shalt  }
0x79: {  	_ =	shalt  }
0x7a: {  	_ =	shalt  }
0x7b: {  	_ =	shalt  }
0x7c: {  	_ =	shalt  }
0x7d: {  	_ =	shalt  }
0x7e: {  	_ =	shalt  }
0x7f: {  	_ =	shalt  }
0x80: {  	_ =	shalt  }
0x81: {  	_ =	shalt  }
0x82: {  	_ =	shalt  }
0x83: {  	_ =	shalt  }
0x84: {  	_ =	shalt  }
0x85: {  	_ =	shalt  }
0x86: {  	_ =	shalt  }
0x87: {  	_ =	shalt  }
.Lfunc_end0:
.L_simem_size_0:
called_computation_lowered:
.L_overlay_start_0:
0x88: {  	s2 =	sld [smem:$0x3FD9]  }
0x89: {  	s3 =	sld [smem:$0x3FFE];
	_ =	sdelay $0x1  }
0x8a: {  	s1 =	srdreg.scid  }
0x8b: {  	s0 =	sand.u32 $0x1, s1  }
0x8c: {  	s17 =	sshll.u32 s0, $0xA;
	s2 =	sadd.s32 s3, s2  }
0x8d: {  	s2 =	sadd.s32 s2, s17  }
0x8e: {  	[smem:$0x3FC5] =	sst s2  }
0x8f: {  	_ = 	snop  }
0x90: {  	s2 =	sld [smem:$0x3FC8]  }
0x91: {  	s18 =	sld [smem:$0x3FC7]  }
0x92: {  	s4 =	sld [smem:$0x3FD0];
	(tm) =	ssettm $0x1  }
0x93: {  	s5 =	sld [smem:$0x3FFB];
	_ =	sdelay $0x3  }
0x94: {  	_ =	strace s5  }
0x95: {  	s5 =	sld [smem:$0x3FFC];
	_ =	sdelay $0x3  }
0x96: {  	_ =	strace s5  }
0x97: {  	s5 =	sld [smem:$0x3FFD];
	_ =	sdelay $0x3  }
0x98: {  	_ =	strace s5  }
0x99: {  	_ =	strace $0x8FFFFFFF  }
0x9a: {  	s19 =	sld [smem:$0x3FDB];
	_ =	sdelay $0x1  }
0x9b: {  	s6 =	simm.s32 $_scs_section_size  }
0x9c: {  	s7 =	simm.s32 $_size__tile_overlayer_lowered;
	s8 =	simm.s32 $_tile_overlayer_lowered  }
0x9d: {  	s22 =	simm.s32 $0x1BFF;
	s21 =	sshll.u32 s8, $0x1;
	s5 =	sadd.s32 s6, s19  }
0x9e: {  	s9 =	simm.s32 $0x0;
	s20 =	sshll.u32 s7, $0x1;
	s7 =	sadd.s32 s21, s5  }
0x9f: {  	[timem:s9], [sflag:s22] =	dma.local [hbm:s7], s20  }
0xa0: {  	_ =	swait.ge [sflag:s22], s20  }
0xa1: {  	s6 =	ssub.s32 $0x0, s20;
	[sflag:s22] =	ssyncset.done $0x0  }
0xa2: {  	[sflag:s22] =	ssyncadd.s32 s6;
	_ =	sdelay $0x1  }
0xa3: {  	s23 =	simm.s32 $0x1B8B  }
0xa4: {  	_ =	swait.ge [sflag:s23], $0x1  }
0xa5: {  	[sflag:s23] =	ssyncset.done $0x0  }
0xa6: {  	s25 =	simm.s32 $0x1B8E;
	s24 =	sld [smem:$0x3FFE];
	[sflag:s23] =	ssyncadd.s32 $0xFFFFFFFF  }
0xa7: {  	s26 =	simm.s32 $execute0_lowered;
	[smem:$0x3FD2] =	sst s25  }
0xa8: {  	s7 =	sshll.u32 s26, $0x1;
	_ =	strace $0x80000046;
	[dreg:$0x1] =	wrdreg $0xFFFFFFFF  }
0xa9: {  	s28 =	simm.s32 $_size_execute0_lowered;
	s5 =	sadd.s32 s5, s7;
	[dreg:$0x0] =	wrdreg $0x0  }
0xaa: {  	s7 =	sshll.u32 s28, $0x1;
	[dreg:$0x2] =	wrdreg s5  }
0xab: {  	[dreg:$0x3] =	wrdreg s7  }
0xac: {  	[dreg:$0x4] =	wrdreg $0xC0  }
0xad: {  	_ =	task [dreg:s9], $0x5FFFF  }
0xae: {  	[dreg:$0x1] =	wrdreg $0xFFFFFFFF  }
0xaf: {  	[dreg:$0x0] =	wrdreg $0x60  }
0xb0: {  	[dreg:$0x2] =	wrdreg s24  }
0xb1: {  	[dreg:$0x3] =	wrdreg s2  }
0xb2: {  	[dreg:$0x4] =	wrdreg s18  }
0xb3: {  	[dreg:$0x5] =	wrdreg s4  }
0xb4: {  	[dreg:$0x6] =	wrdreg $0x9  }
0xb5: {  	_ =	task.clear_ibuf [dreg:s9], $0x7FFFF;
	_ =	strace $0x90000046  }
0xb6: {  	s29 =	simm.s32 $0x9;
	_ =	strace $0x80000048  }
0xb7: {  	_ =	swait.ge [sflag:s29], $0x1  }
0xb8: {  	[sflag:s29] =	ssyncadd.s32 $0xFFFFFFFF  }
0xb9: {  	_ =	strace $0x90000048  }
0xba: {  	_ =	sfence  }
0xbb: {  	s30 =	sld [smem:$0x0];
	_ =	sdelay $0x2  }
0xbc: {  	s31 =	sshll.u32 s1, $0xD;
	s1 =	sshrl.u32 s1, $0x2  }
0xbd: {  	s3 =	sand.u32 $0x4000, s31;
	s1 =	sadd.s32 s1, s30  }
0xbe: {  	s0 =	sor.u32 s3, s0;
	s1 =	sshll.u32 s1, $0x11  }
0xbf: {  	s0 =	sor.u32 s1, s0  }
0xc0: {  	s0 =	sadd.s32 $0x8F2B, s0  }
0xc1: {  	[sflag:s0] =	ssyncadd.remote.s32 $0x1  }
0xc2: {  	_ =	sfence.sel $0xFFFF  }
0xc3: {  	[dreg:$0x0] =	wrdreg $0xFFFFFFFF;
	(pc) =	sbr.abs _section_cstart, $3  }
0xc4: {  	[dreg:$0x1] =	wrdreg $0xFFFFFFFF  }
0xc5: {  	_ =	task.clear_ibuf [dreg:s9], $0x2FFFF;
	_ =	strace $0x9FFFFFFF  }
0xc6: {  	(tm) =	ssettm $0x7FFFFFFF  }
0xc7: {  	_ =	shalt  }
tec
execute0_lowered:
.L_overlay_start_1:
0x0: {  	(tag) =	ssettag $0x1  }
0x1: {  	s0 =	rddreg [dreg:$0x0]  }
0x2: {  	s1 =	rddreg [dreg:$0x1]  }
0x3: {  	s8 =	rddreg [dreg:$0x2]  }
0x4: {  	s4 =	rddreg [dreg:$0x3];
	s2 =	srdreg.scid  }
0x5: {  	s5 =	simm.s32 $0x0;
	s3 =	stileid.u32;
	s21 =	simm.s32 $0x4  }
0x6: {  	s19 =	simm.s32 $0x14100;
	s29 =	simm.s32 $0x5;
	s30 =	simm.s32 $0x6  }
0x7: {  	s31 =	simm.s32 $0x7;
	s9 =	simm.s32 $0x0;
	s2 =	sand.u32 $0x1, s2  }
0x8: {  	[smem:$0x7FF] =	sst s5;
	s3 =	sshll.u32 s3, $0x7;
	s0 =	sadd.s32 $0x400, s0  }
0x9: {  	s16 =	sadd.s32 $0x100, s1;
	s17 =	sadd.s32 $0x200, s1;
	s6 =	sshll.u32 s2, $0x6  }
0xa: {  	s18 =	sadd.s32 $0x300, s1;
	s2 =	ssub.s32 $0x2, s2;
	s6 =	sor.u32 s6, s3  }
0xb: {  	_ =	strace $0x80000047;
	s22 =	sshrl.u32 s2, $0x1;
	s7 =	sshll.u32 s6, $0x7  }
0xc: {  	s2 =	ssub.s32 s2, s22;
	s23 =	sshrl.u32 s6, $0x3;
	s10 =	sor.u32 $0x800, s6  }
0xd: {  	s11 =	sor.u32 $0x1000, s6;
	s12 =	sor.u32 $0x1800, s6;
	s7 =	sadd.s32 s8, s7  }
0xe: {  	s3 =	sadd.s32 s0, s23;
	s24 =	sshrl.u32 s10, $0x3;
	s25 =	sshrl.u32 s11, $0x3  }
0xf: {  	s26 =	sshrl.u32 s12, $0x3;
	s28 =	smax.u32 s2, $0x1;
	[dreg:$0x5] =	wrdreg s7  }
0x10: {  	s23 =	simm.s32 $0x9;
	s8 =	simm.s32 $0xC;
	[dreg:$0x7] =	wrdreg s3  }
.Ltmp0:
0x11: {  	s7 =	sadd.s32 $0x400, s7;
	[dreg:$0xb] =	wrdreg s28;
	(pc) =	sbr.rel .LBB2_1-.Ltmp0, $4  }
0x12: {  	s3 =	sadd.s32 s0, s24;
	s24 =	simm.s32 $0xA;
	[dreg:$0x6] =	wrdreg s7  }
0x13: {  	v0 =	vlaneseq.u32;
	[dreg:$0x8] =	wrdreg s3;
	s3 =	sadd.s32 s0, s25;
	s0 =	sadd.s32 s0, s26  }
0x14: {  	v1 =	vshrl.u32 v0, $0x3;
	s7 =	simm.s32 $0xD;
	s25 =	simm.s32 $0xB;
	[dreg:$0x9] =	wrdreg s3  }
0x15: {  	vm0 =	vmmov $0xffff;
	v0 =	vand.u32 $0x7, v0;
	v1 =	vmul.u32 $0x8, v1;
	[dreg:$0xa] =	wrdreg s0;
	s0 =	simm.s32 $0x8;
	s3 =	simm.s32 $0xE  }
.LBB2_10:
0x16: {  	_ =	swait.ge [sflag:s23], $0x2000  }
0x17: {  	[sflag:s23] =	ssyncset.done $0x0  }
0x18: {  	[sflag:s23] =	ssyncadd.s32 $0xFFFFE000  }
0x19: {  	_ =	swait.ge [sflag:s24], $0x2000  }
0x1a: {  	[sflag:s24] =	ssyncset.done $0x0  }
0x1b: {  	[sflag:s24] =	ssyncadd.s32 $0xFFFFE000  }
0x1c: {  	_ =	swait.ge [sflag:s25], $0x2000  }
0x1d: {  	[sflag:s25] =	ssyncset.done $0x0  }
0x1e: {  	[sflag:s25] =	ssyncadd.s32 $0xFFFFE000  }
0x1f: {  	_ =	swait.ge [sflag:s8], $0x2000  }
0x20: {  	s9 =	rddreg [dreg:$0xc]  }
0x21: {  	s2 =	rddreg [dreg:$0xb];
	s9 =	sadd.s32 $0x1, s9  }
0x22: {  	p0 =	sne.s32 s9, s2  }
.Ltmp1:
0x23: {  	_ = 	snop;
	(pc) =	sbr.rel @!p0 .LBB2_11-.Ltmp1, $3  }
0x24: {  	_ =	sdelay $0x1  }
0x25: {  	[sflag:s8] =	ssyncset.done $0x0  }
0x26: {  	[sflag:s8] =	ssyncadd.s32 $0xFFFFE000  }
.LBB2_1:
0x27: {  	[dreg:$0xc] =	wrdreg s9  }
0x28: {  	s2 =	rddreg [dreg:$0x5];
	s22 =	simm.s32 $0x100  }
0x29: {  	[tilespmem:s22], [sflag:$0xD] =	stream.linear.gather [hbm4b:s2+s5], $0x2000, $0x38;
	[tilespmem:$0x1C100] =	vst v63  }
0x2a: {  	s26 =	rddreg [dreg:$0x6];
	s28 =	simm.s32 $0x2100  }
0x2b: {  	[tilespmem:s28], [sflag:$0xE] =	stream.linear.gather [hbm4b:s26+s5], $0x2000, $0x38;
	[tilespmem:$0x1C100] =	vst v63  }
0x2c: {  	s13 =	rddreg [dreg:$0x7];
	s14 =	simm.s32 $0xF  }
0x2d: {  	[tilespmem:s5], [sflag:$0xF] =	stream.linear.gather [hbm4b:s13+s5], $0x40, $0x38;
	[tilespmem:$0x1C100] =	vst v63  }
0x2e: {  	_ =	swait.ge [sflag:s14], $0x40  }
0x2f: {  	[sflag:s14] =	ssyncset.done $0x0  }
0x30: {  	s13 =	simm.s32 $0x40;
	s15 =	rddreg [dreg:$0x8];
	[sflag:s14] =	ssyncadd.s32 $0xFFFFFFC0  }
0x31: {  	[tilespmem:s13], [sflag:$0xF] =	stream.linear.gather [hbm4b:s15+s5], $0x40, $0x38;
	[tilespmem:$0x1C100] =	vst v63  }
0x32: {  	_ =	swait.ge [sflag:s14], $0x40  }
0x33: {  	[sflag:s14] =	ssyncset.done $0x0  }
0x34: {  	s22 =	simm.s32 $0x80;
	s20 =	rddreg [dreg:$0x9];
	[sflag:s14] =	ssyncadd.s32 $0xFFFFFFC0  }
0x35: {  	[tilespmem:s22], [sflag:$0xF] =	stream.linear.gather [hbm4b:s20+s5], $0x40, $0x38;
	[tilespmem:$0x1C100] =	vst v63  }
0x36: {  	_ =	swait.ge [sflag:s14], $0x40  }
0x37: {  	[sflag:s14] =	ssyncset.done $0x0  }
0x38: {  	s28 =	simm.s32 $0xC0;
	s26 =	rddreg [dreg:$0xa];
	[sflag:s14] =	ssyncadd.s32 $0xFFFFFFC0  }
0x39: {  	[tilespmem:s28], [sflag:$0xF] =	stream.linear.gather [hbm4b:s26+s5], $0x40, $0x38;
	[tilespmem:$0x1C100] =	vst v63  }
0x3a: {  	_ =	swait.ge [sflag:s14], $0x40  }
0x3b: {  	[sflag:s14] =	ssyncset.done $0x0  }
0x3c: {  	[sflag:s14] =	ssyncadd.s32 $0xFFFFFFC0  }
0x3d: {  	v2 =	vld.msk [tilespmem:$0x0], $0xff;
	_ =	sdelay $0x4  }
0x3e: {  	v3 =	vshll.u32 v2, $0x3  }
0x3f: {  	v2 =	vand.u32 $0x7, v2;
	v3 =	vand.u32 $0xFFFFFFC0, v3  }
0x40: {  	v2 =	vor.u32 v2, v3  }
0x41: {  	v2 =	vperm.xlane v2, v0;
	_ =	sdelay $0x1  }
0x42: {  	v2 =	vadd.s32 v1, v2;
	_ =	sdelay $0x3  }
0x43: {  	s9 =	simm.s32 $0x4100  }
0x44: {  	[tilespmem:s9], [sflag:$0x1] =	stream.indirect_vreg.gather [hbm4b:s1+s5], $0x80, v2, vm0, $0xb8;
	[tilespmem:$0x1C100] =	vst v63  }
0x45: {  	s13 =	simm.s32 $0x4900  }
0x46: {  	[tilespmem:s13], [sflag:$0x1] =	stream.indirect_vreg.gather [hbm4b:s16+s5], $0x80, v2, vm0, $0xb8;
	[tilespmem:$0x1C100] =	vst v63  }
0x47: {  	s14 =	simm.s32 $0x5100  }
0x48: {  	[tilespmem:s14], [sflag:$0x1] =	stream.indirect_vreg.gather [hbm4b:s17+s5], $0x80, v2, vm0, $0xb8;
	[tilespmem:$0x1C100] =	vst v63  }
0x49: {  	s15 =	simm.s32 $0x5900  }
0x4a: {  	[tilespmem:s15], [sflag:$0x1] =	stream.indirect_vreg.gather [hbm4b:s18+s5], $0x80, v2, vm0, $0xb8;
	[tilespmem:$0x1C100] =	vst v63  }
0x4b: {  	v2 =	vld.msk [tilespmem:$0x40], $0xff;
	_ =	sdelay $0x4  }
0x4c: {  	v3 =	vshll.u32 v2, $0x3  }
0x4d: {  	v2 =	vand.u32 $0x7, v2;
	v3 =	vand.u32 $0xFFFFFFC0, v3  }
0x4e: {  	v2 =	vor.u32 v2, v3  }
0x4f: {  	v2 =	vperm.xlane v2, v0;
	_ =	sdelay $0x1  }
0x50: {  	v2 =	vadd.s32 v1, v2;
	_ =	sdelay $0x3  }
0x51: {  	s20 =	simm.s32 $0x6100  }
0x52: {  	[tilespmem:s20], [sflag:$0x2] =	stream.indirect_vreg.gather [hbm4b:s1+s5], $0x80, v2, vm0, $0xb8;
	[tilespmem:$0x1C100] =	vst v63  }
0x53: {  	s22 =	simm.s32 $0x6900  }
0x54: {  	[tilespmem:s22], [sflag:$0x2] =	stream.indirect_vreg.gather [hbm4b:s16+s5], $0x80, v2, vm0, $0xb8;
	[tilespmem:$0x1C100] =	vst v63  }
0x55: {  	s26 =	simm.s32 $0x7100  }
0x56: {  	[tilespmem:s26], [sflag:$0x2] =	stream.indirect_vreg.gather [hbm4b:s17+s5], $0x80, v2, vm0, $0xb8;
	[tilespmem:$0x1C100] =	vst v63  }
0x57: {  	s28 =	simm.s32 $0x7900  }
0x58: {  	[tilespmem:s28], [sflag:$0x2] =	stream.indirect_vreg.gather [hbm4b:s18+s5], $0x80, v2, vm0, $0xb8;
	[tilespmem:$0x1C100] =	vst v63  }
0x59: {  	v2 =	vld.msk [tilespmem:$0x80], $0xff;
	_ =	sdelay $0x4  }
0x5a: {  	v3 =	vshll.u32 v2, $0x3  }
0x5b: {  	v2 =	vand.u32 $0x7, v2;
	v3 =	vand.u32 $0xFFFFFFC0, v3  }
0x5c: {  	v2 =	vor.u32 v2, v3  }
0x5d: {  	v2 =	vperm.xlane v2, v0;
	_ =	sdelay $0x1  }
0x5e: {  	v2 =	vadd.s32 v1, v2;
	_ =	sdelay $0x3  }
0x5f: {  	s9 =	simm.s32 $0x8100  }
0x60: {  	[tilespmem:s9], [sflag:$0x3] =	stream.indirect_vreg.gather [hbm4b:s1+s5], $0x80, v2, vm0, $0xb8;
	[tilespmem:$0x1C100] =	vst v63  }
0x61: {  	s13 =	simm.s32 $0x8900  }
0x62: {  	[tilespmem:s13], [sflag:$0x3] =	stream.indirect_vreg.gather [hbm4b:s16+s5], $0x80, v2, vm0, $0xb8;
	[tilespmem:$0x1C100] =	vst v63  }
0x63: {  	s14 =	simm.s32 $0x9100  }
0x64: {  	[tilespmem:s14], [sflag:$0x3] =	stream.indirect_vreg.gather [hbm4b:s17+s5], $0x80, v2, vm0, $0xb8;
	[tilespmem:$0x1C100] =	vst v63  }
0x65: {  	s15 =	simm.s32 $0x9900  }
0x66: {  	[tilespmem:s15], [sflag:$0x3] =	stream.indirect_vreg.gather [hbm4b:s18+s5], $0x80, v2, vm0, $0xb8;
	[tilespmem:$0x1C100] =	vst v63  }
0x67: {  	v2 =	vld.msk [tilespmem:$0xC0], $0xff;
	_ =	sdelay $0x4  }
0x68: {  	v3 =	vshll.u32 v2, $0x3  }
0x69: {  	v2 =	vand.u32 $0x7, v2;
	v3 =	vand.u32 $0xFFFFFFC0, v3  }
0x6a: {  	v2 =	vor.u32 v2, v3  }
0x6b: {  	v2 =	vperm.xlane v2, v0;
	_ =	sdelay $0x1  }
0x6c: {  	v2 =	vadd.s32 v1, v2;
	_ =	sdelay $0x3  }
0x6d: {  	s20 =	simm.s32 $0xA100  }
0x6e: {  	[tilespmem:s20], [sflag:$0x4] =	stream.indirect_vreg.gather [hbm4b:s1+s5], $0x80, v2, vm0, $0xb8;
	[tilespmem:$0x1C100] =	vst v63  }
0x6f: {  	s22 =	simm.s32 $0xA900  }
0x70: {  	[tilespmem:s22], [sflag:$0x4] =	stream.indirect_vreg.gather [hbm4b:s16+s5], $0x80, v2, vm0, $0xb8;
	[tilespmem:$0x1C100] =	vst v63  }
0x71: {  	s26 =	simm.s32 $0xB100  }
0x72: {  	[tilespmem:s26], [sflag:$0x4] =	stream.indirect_vreg.gather [hbm4b:s17+s5], $0x80, v2, vm0, $0xb8;
	[tilespmem:$0x1C100] =	vst v63  }
0x73: {  	s28 =	simm.s32 $0xB900  }
0x74: {  	[tilespmem:s28], [sflag:$0x4] =	stream.indirect_vreg.gather [hbm4b:s18+s5], $0x80, v2, vm0, $0xb8;
	[tilespmem:$0x1C100] =	vst v63  }
0x75: {  	v2 =	vld.msk [tilespmem:$0x8], $0xff;
	_ =	sdelay $0x4  }
0x76: {  	v3 =	vshll.u32 v2, $0x3  }
0x77: {  	v2 =	vand.u32 $0x7, v2;
	v3 =	vand.u32 $0xFFFFFFC0, v3  }
0x78: {  	v2 =	vor.u32 v2, v3  }
0x79: {  	v2 =	vperm.xlane v2, v0;
	_ =	sdelay $0x1  }
0x7a: {  	v2 =	vadd.s32 v1, v2;
	_ =	sdelay $0x3  }
0x7b: {  	s9 =	simm.s32 $0xC100  }
0x7c: {  	[tilespmem:s9], [sflag:$0x5] =	stream.indirect_vreg.gather [hbm4b:s1+s5], $0x80, v2, vm0, $0xb8;
	[tilespmem:$0x1C100] =	vst v63  }
0x7d: {  	s13 =	simm.s32 $0xC900  }
0x7e: {  	[tilespmem:s13], [sflag:$0x5] =	stream.indirect_vreg.gather [hbm4b:s16+s5], $0x80, v2, vm0, $0xb8;
	[tilespmem:$0x1C100] =	vst v63  }
0x7f: {  	s14 =	simm.s32 $0xD100  }
0x80: {  	[tilespmem:s14], [sflag:$0x5] =	stream.indirect_vreg.gather [hbm4b:s17+s5], $0x80, v2, vm0, $0xb8;
	[tilespmem:$0x1C100] =	vst v63  }
0x81: {  	s15 =	simm.s32 $0xD900  }
0x82: {  	[tilespmem:s15], [sflag:$0x5] =	stream.indirect_vreg.gather [hbm4b:s18+s5], $0x80, v2, vm0, $0xb8;
	[tilespmem:$0x1C100] =	vst v63  }
0x83: {  	v2 =	vld.msk [tilespmem:$0x48], $0xff;
	_ =	sdelay $0x4  }
0x84: {  	v3 =	vshll.u32 v2, $0x3  }
0x85: {  	v2 =	vand.u32 $0x7, v2;
	v3 =	vand.u32 $0xFFFFFFC0, v3  }
0x86: {  	v2 =	vor.u32 v2, v3  }
0x87: {  	v2 =	vperm.xlane v2, v0;
	_ =	sdelay $0x1  }
0x88: {  	v2 =	vadd.s32 v1, v2;
	_ =	sdelay $0x3  }
0x89: {  	s20 =	simm.s32 $0xE100  }
0x8a: {  	[tilespmem:s20], [sflag:$0x6] =	stream.indirect_vreg.gather [hbm4b:s1+s5], $0x80, v2, vm0, $0xb8;
	[tilespmem:$0x1C100] =	vst v63  }
0x8b: {  	s22 =	simm.s32 $0xE900  }
0x8c: {  	[tilespmem:s22], [sflag:$0x6] =	stream.indirect_vreg.gather [hbm4b:s16+s5], $0x80, v2, vm0, $0xb8;
	[tilespmem:$0x1C100] =	vst v63  }
0x8d: {  	s26 =	simm.s32 $0xF100  }
0x8e: {  	[tilespmem:s26], [sflag:$0x6] =	stream.indirect_vreg.gather [hbm4b:s17+s5], $0x80, v2, vm0, $0xb8;
	[tilespmem:$0x1C100] =	vst v63  }
0x8f: {  	s28 =	simm.s32 $0xF900  }
0x90: {  	[tilespmem:s28], [sflag:$0x6] =	stream.indirect_vreg.gather [hbm4b:s18+s5], $0x80, v2, vm0, $0xb8;
	[tilespmem:$0x1C100] =	vst v63  }
0x91: {  	v2 =	vld.msk [tilespmem:$0x88], $0xff;
	_ =	sdelay $0x4  }
0x92: {  	v3 =	vshll.u32 v2, $0x3  }
0x93: {  	v2 =	vand.u32 $0x7, v2;
	v3 =	vand.u32 $0xFFFFFFC0, v3  }
0x94: {  	v2 =	vor.u32 v2, v3  }
0x95: {  	v2 =	vperm.xlane v2, v0;
	_ =	sdelay $0x1  }
0x96: {  	v2 =	vadd.s32 v1, v2;
	_ =	sdelay $0x3  }
0x97: {  	s9 =	simm.s32 $0x10100  }
0x98: {  	[tilespmem:s9], [sflag:$0x7] =	stream.indirect_vreg.gather [hbm4b:s1+s5], $0x80, v2, vm0, $0xb8;
	[tilespmem:$0x1C100] =	vst v63  }
0x99: {  	s13 =	simm.s32 $0x10900  }
0x9a: {  	[tilespmem:s13], [sflag:$0x7] =	stream.indirect_vreg.gather [hbm4b:s16+s5], $0x80, v2, vm0, $0xb8;
	[tilespmem:$0x1C100] =	vst v63  }
0x9b: {  	s14 =	simm.s32 $0x11100  }
0x9c: {  	[tilespmem:s14], [sflag:$0x7] =	stream.indirect_vreg.gather [hbm4b:s17+s5], $0x80, v2, vm0, $0xb8;
	[tilespmem:$0x1C100] =	vst v63  }
0x9d: {  	s15 =	simm.s32 $0x11900  }
0x9e: {  	[tilespmem:s15], [sflag:$0x7] =	stream.indirect_vreg.gather [hbm4b:s18+s5], $0x80, v2, vm0, $0xb8;
	[tilespmem:$0x1C100] =	vst v63  }
0x9f: {  	v2 =	vld.msk [tilespmem:$0xC8], $0xff;
	_ =	sdelay $0x4  }
0xa0: {  	v3 =	vshll.u32 v2, $0x3  }
0xa1: {  	v2 =	vand.u32 $0x7, v2;
	v3 =	vand.u32 $0xFFFFFFC0, v3  }
0xa2: {  	v2 =	vor.u32 v2, v3  }
0xa3: {  	v2 =	vperm.xlane v2, v0;
	_ =	sdelay $0x1  }
0xa4: {  	v2 =	vadd.s32 v1, v2;
	_ =	sdelay $0x3  }
0xa5: {  	s20 =	simm.s32 $0x12100  }
0xa6: {  	[tilespmem:s20], [sflag:$0x8] =	stream.indirect_vreg.gather [hbm4b:s1+s5], $0x80, v2, vm0, $0xb8;
	[tilespmem:$0x1C100] =	vst v63  }
0xa7: {  	s22 =	simm.s32 $0x12900  }
0xa8: {  	[tilespmem:s22], [sflag:$0x8] =	stream.indirect_vreg.gather [hbm4b:s16+s5], $0x80, v2, vm0, $0xb8;
	[tilespmem:$0x1C100] =	vst v63  }
0xa9: {  	s26 =	simm.s32 $0x13100  }
0xaa: {  	[tilespmem:s26], [sflag:$0x8] =	stream.indirect_vreg.gather [hbm4b:s17+s5], $0x80, v2, vm0, $0xb8;
	[tilespmem:$0x1C100] =	vst v63  }
0xab: {  	s28 =	simm.s32 $0x13900;
	s9 =	simm.s32 $0x0  }
0xac: {  	[tilespmem:s28], [sflag:$0x8] =	stream.indirect_vreg.gather [hbm4b:s18+s5], $0x80, v2, vm0, $0xb8;
	[tilespmem:$0x1C100] =	vst v63  }
.LBB2_2:
0xad: {  	s2 =	simm.s32 $0x1  }
0xae: {  	_ =	swait.ge [sflag:s2], $0x2000  }
0xaf: {  	[sflag:s2] =	ssyncset.done $0x0  }
0xb0: {  	s22 =	simm.s32 $0x2;
	[sflag:s2] =	ssyncadd.s32 $0xFFFFE000  }
0xb1: {  	_ =	swait.ge [sflag:s22], $0x2000  }
0xb2: {  	[sflag:s22] =	ssyncset.done $0x0  }
0xb3: {  	s26 =	simm.s32 $0x3;
	[sflag:s22] =	ssyncadd.s32 $0xFFFFE000  }
0xb4: {  	_ =	swait.ge [sflag:s26], $0x2000  }
0xb5: {  	[sflag:s26] =	ssyncset.done $0x0  }
0xb6: {  	[sflag:s26] =	ssyncadd.s32 $0xFFFFE000  }
0xb7: {  	_ =	swait.ge [sflag:s21], $0x2000  }
0xb8: {  	[sflag:s21] =	ssyncset.done $0x0  }
0xb9: {  	[sflag:s21] =	ssyncadd.s32 $0xFFFFE000  }
0xba: {  	_ =	swait.ge [sflag:s7], $0x2000  }
0xbb: {  	p0 =	seq.s32 s9, $0x0;
	[sflag:s7] =	ssyncset.done $0x0  }
0xbc: {  	s2 =	simm.s32 @!p0 $0x9;
	[sflag:s7] =	ssyncadd.s32 $0xFFFFE000  }
0xbd: {  	_ =	swait.ge @!p0 [sflag:s2], $0x2000  }
0xbe: {  	[sflag:s2] =	ssyncset.done @!p0 $0x0  }
0xbf: {  	[sflag:s2] =	ssyncadd.s32 @!p0 $0xFFFFE000;
	s2 =	simm.s32 @!p0 $0xA  }
0xc0: {  	_ =	swait.ge @!p0 [sflag:s2], $0x2000  }
0xc1: {  	[sflag:s2] =	ssyncset.done @!p0 $0x0  }
0xc2: {  	[sflag:s2] =	ssyncadd.s32 @!p0 $0xFFFFE000;
	s2 =	simm.s32 @!p0 $0xB  }
0xc3: {  	_ =	swait.ge @!p0 [sflag:s2], $0x2000  }
0xc4: {  	[sflag:s2] =	ssyncset.done @!p0 $0x0  }
0xc5: {  	s22 =	simm.s32 $0x0;
	[sflag:s2] =	ssyncadd.s32 @!p0 $0xFFFFE000;
	s2 =	simm.s32 @!p0 $0xC  }
0xc6: {  	s13 =	sand.u32 $0x1C00, s22;
	_ =	swait.ge @!p0 [sflag:s2], $0x2000  }
0xc7: {  	s14 =	sor.u32 s13, s22;
	[sflag:s2] =	ssyncset.done @!p0 $0x0  }
0xc8: {  	s14 =	sor.u32 $0x70, s14;
	[sflag:s2] =	ssyncadd.s32 @!p0 $0xFFFFE000  }
0xc9: {  	v2 =	vld [tilespmem:s14+$0xA100]  }
0xca: {  	v3 =	vld [tilespmem:s14+$0x4100]  }
0xcb: {  	v14 =	vld [tilespmem:s14+$0x100]  }
0xcc: {  	s28 =	sand.u32 $0x380, s22;
	v4 =	vld [tilespmem:s14+$0x6100]  }
0xcd: {  	s2 =	sor.u32 s28, s13;
	v5 =	vld [tilespmem:s14+$0x8100]  }
0xce: {  	v6 =	vld [tilespmem:s2+$0x4100]  }
0xcf: {  	v7 =	vld [tilespmem:s2+$0x6100]  }
0xd0: {  	v8 =	vld [tilespmem:s2+$0x8100]  }
0xd1: {  	v9 =	vld [tilespmem:s2+$0xA100]  }
0xd2: {  	v10 =	vld [tilespmem:s2+$0x4110]  }
0xd3: {  	v11 =	vld [tilespmem:s2+$0x6110]  }
0xd4: {  	v12 =	vld [tilespmem:s2+$0x8110]  }
0xd5: {  	v13 =	vld [tilespmem:s2+$0xA110]  }
0xd6: {  	v15 =	vld [tilespmem:s2+$0x4120]  }
0xd7: {  	v16 =	vld [tilespmem:s2+$0x6120]  }
0xd8: {  	v17 =	vld [tilespmem:s2+$0x8120]  }
0xd9: {  	v18 =	vld [tilespmem:s2+$0xA120]  }
0xda: {  	v19 =	vld [tilespmem:s2+$0x4130]  }
0xdb: {  	v20 =	vld [tilespmem:s2+$0x6130]  }
0xdc: {  	v21 =	vld [tilespmem:s2+$0x8130]  }
0xdd: {  	v22 =	vld [tilespmem:s2+$0xA130]  }
0xde: {  	v24 =	vld [tilespmem:s2+$0x4140];
	v23 =	vmul.f32 $3.125000000e-02, v2;
	v25 =	vmul.f32 $3.125000000e-02, v3  }
0xdf: {  	v27 =	vld [tilespmem:s2+$0x6140];
	v26 =	vmul.f32 $3.125000000e-02, v4;
	v28 =	vmul.f32 $3.125000000e-02, v5  }
0xe0: {  	v29 =	vld [tilespmem:s2+$0x8140];
	v2 =	vmul.f32 $3.125000000e-02, v6;
	v3 =	vmul.f32 $3.125000000e-02, v7  }
0xe1: {  	v30 =	vld [tilespmem:s2+$0xA140];
	v4 =	vmul.f32 $3.125000000e-02, v8;
	v5 =	vmul.f32 $3.125000000e-02, v9  }
0xe2: {  	v31 =	vld [tilespmem:s2+$0x4150];
	v6 =	vmul.f32 $3.125000000e-02, v10;
	v8 =	vmul.f32 $3.125000000e-02, v11  }
0xe3: {  	v32 =	vld [tilespmem:s2+$0x6150];
	v7 =	vmul.f32 $3.125000000e-02, v12;
	v10 =	vmul.f32 $3.125000000e-02, v13  }
0xe4: {  	v34 =	vld [tilespmem:s2+$0x8150];
	v9 =	vmul.f32 $3.125000000e-02, v15;
	v12 =	vmul.f32 $3.125000000e-02, v16  }
0xe5: {  	v35 =	vld [tilespmem:s2+$0xA150];
	v11 =	vmul.f32 $3.125000000e-02, v17;
	v15 =	vmul.f32 $3.125000000e-02, v18  }
0xe6: {  	v36 =	vld [tilespmem:s2+$0x6160];
	v13 =	vmul.f32 $3.125000000e-02, v19;
	v20 =	vmul.f32 $3.125000000e-02, v20  }
0xe7: {  	v37 =	vld [tilespmem:s2+$0x8160];
	v16 =	vmul.f32 $3.125000000e-02, v21;
	v18 =	vmul.f32 $3.125000000e-02, v24  }
0xe8: {  	v19 =	vld [tilespmem:s2+$0x4160];
	v27 =	vmul.f32 $3.125000000e-02, v27;
	v24 =	vmul.f32 $3.125000000e-02, v29;
	v17 =	vadd.f32 v23, v14  }
0xe9: {  	v29 =	vld [tilespmem:s2+$0xA160];
	v21 =	vmul.f32 $3.125000000e-02, v30;
	v23 =	vmul.f32 $3.125000000e-02, v22;
	v22 =	vadd.f32 v25, v14  }
0xea: {  	v33 =	vld [tilespmem:s2+$0x100];
	v26 =	vadd.f32 v26, v14;
	v30 =	vadd.f32 v28, v14;
	v28 =	vmul.f32 $3.125000000e-02, v32;
	[tilespmem:s14+$0x1A100] =	vst v17  }
0xeb: {  	v25 =	vmul.f32 $3.125000000e-02, v34;
	v32 =	vld [tilespmem:s2+$0x110];
	v17 =	vmul.f32 $3.125000000e-02, v31;
	[tilespmem:s14+$0x14100] =	vst v22  }
0xec: {  	[tilespmem:s14+$0x16100] =	vst v26;
	v22 =	vmul.f32 $3.125000000e-02, v35;
	v31 =	vld [tilespmem:s2+$0x120];
	v26 =	vmul.f32 $3.125000000e-02, v36  }
0xed: {  	s20 =	simm.s32 $0x0;
	s26 =	simm.s32 $0x400;
	s13 =	sshll.u32 s9, $0x4;
	[tilespmem:s14+$0x18100] =	vst v30;
	v30 =	vld [tilespmem:s2+$0x130];
	v14 =	vmul.f32 $3.125000000e-02, v19;
	v19 =	vmul.f32 $3.125000000e-02, v37  }
.LBB2_3:
0xee: {  	s14 =	sand.u32 $0x1C00, s26;
	s20 =	sadd.s32 $0x8, s20;
	v34 =	vld [tilespmem:s2+$0x140];
	v29 =	vmul.f32 $3.125000000e-02, v29;
	s22 =	sadd.s32 $0x10, s22  }
0xef: {  	s28 =	sand.u32 $0x380, s22;
	s15 =	sor.u32 s14, s22;
	p0 =	slt.u32 s20, $0x1F8;
	v2 =	vadd.f32 v2, v33;
	v3 =	vadd.f32 v3, v33;
	v35 =	vld [tilespmem:s2+$0x150]  }
0xf0: {  	v4 =	vadd.f32 v4, v33;
	v5 =	vadd.f32 v5, v33;
	s28 =	sor.u32 s28, s14;
	s14 =	sor.u32 $0x70, s15;
	v33 =	vld [tilespmem:s2+$0x160]  }
0xf1: {  	v36 =	vld [tilespmem:s14+$0xA100];
	[tilespmem:s2+$0x14100] =	vst v2;
	v2 =	vadd.f32 v6, v32;
	v6 =	vadd.f32 v8, v32  }
0xf2: {  	v8 =	vld [tilespmem:s14+$0x4100];
	[tilespmem:s2+$0x16100] =	vst v3;
	v3 =	vadd.f32 v7, v32;
	v7 =	vadd.f32 v10, v32  }
0xf3: {  	v10 =	vld [tilespmem:s14+$0x100];
	[tilespmem:s2+$0x18100] =	vst v4;
	v4 =	vadd.f32 v9, v31;
	v9 =	vadd.f32 v12, v31  }
0xf4: {  	v11 =	vadd.f32 v11, v31;
	v15 =	vadd.f32 v15, v31;
	v12 =	vld [tilespmem:s14+$0x6100];
	[tilespmem:s2+$0x1A100] =	vst v5  }
0xf5: {  	v13 =	vadd.f32 v13, v30;
	v20 =	vadd.f32 v20, v30;
	v5 =	vld [tilespmem:s14+$0x8100];
	[tilespmem:s2+$0x14110] =	vst v2  }
0xf6: {  	v16 =	vadd.f32 v16, v30;
	v23 =	vadd.f32 v23, v30;
	v2 =	vld [tilespmem:s28+$0x4100];
	v31 =	vmul.f32 $3.125000000e-02, v36;
	[tilespmem:s2+$0x16110] =	vst v6  }
0xf7: {  	v18 =	vadd.f32 v18, v34;
	v27 =	vadd.f32 v27, v34;
	v6 =	vld [tilespmem:s28+$0x6100];
	v8 =	vmul.f32 $3.125000000e-02, v8;
	[tilespmem:s2+$0x18110] =	vst v3  }
0xf8: {  	v24 =	vadd.f32 v24, v34;
	v30 =	vld [tilespmem:s28+$0x8100];
	v3 =	vadd.f32 v31, v10;
	[tilespmem:s2+$0x1A110] =	vst v7  }
0xf9: {  	v21 =	vadd.f32 v21, v34;
	v7 =	vld [tilespmem:s28+$0xA100];
	v8 =	vadd.f32 v8, v10;
	v12 =	vmul.f32 $3.125000000e-02, v12;
	[tilespmem:s2+$0x14120] =	vst v4  }
0xfa: {  	v17 =	vadd.f32 v17, v35;
	v28 =	vadd.f32 v28, v35;
	v31 =	vld [tilespmem:s28+$0x4110];
	v4 =	vmul.f32 $3.125000000e-02, v5;
	[tilespmem:s14+$0x1A100] =	vst v3  }
0xfb: {  	v25 =	vadd.f32 v25, v35;
	v2 =	vmul.f32 $3.125000000e-02, v2;
	v32 =	vld [tilespmem:s28+$0x6110];
	[tilespmem:s14+$0x14100] =	vst v8;
	v5 =	vadd.f32 v12, v10  }
0xfc: {  	v22 =	vadd.f32 v22, v35;
	v3 =	vmul.f32 $3.125000000e-02, v6;
	v12 =	vld [tilespmem:s28+$0x8110];
	v6 =	vadd.f32 v4, v10;
	[tilespmem:s2+$0x16120] =	vst v9  }
0xfd: {  	v14 =	vadd.f32 v14, v33;
	v26 =	vadd.f32 v26, v33;
	v4 =	vmul.f32 $3.125000000e-02, v30;
	v9 =	vld [tilespmem:s28+$0xA110];
	[tilespmem:s14+$0x16100] =	vst v5  }
0xfe: {  	v19 =	vadd.f32 v19, v33;
	v29 =	vadd.f32 v29, v33;
	v5 =	vmul.f32 $3.125000000e-02, v7;
	v30 =	vld [tilespmem:s28+$0x4120];
	[tilespmem:s14+$0x18100] =	vst v6  }
0xff: {  	v6 =	vmul.f32 $3.125000000e-02, v31;
	v31 =	vld [tilespmem:s28+$0x6120];
	[tilespmem:s2+$0x18120] =	vst v11  }
0x100: {  	v8 =	vmul.f32 $3.125000000e-02, v32;
	v11 =	vld [tilespmem:s28+$0x8120];
	[tilespmem:s2+$0x1A120] =	vst v15  }
0x101: {  	v7 =	vmul.f32 $3.125000000e-02, v12;
	v15 =	vld [tilespmem:s28+$0xA120];
	[tilespmem:s2+$0x14130] =	vst v13  }
0x102: {  	v10 =	vmul.f32 $3.125000000e-02, v9;
	v13 =	vld [tilespmem:s28+$0x4130];
	[tilespmem:s2+$0x16130] =	vst v20  }
0x103: {  	v9 =	vmul.f32 $3.125000000e-02, v30;
	v20 =	vld [tilespmem:s28+$0x6130];
	[tilespmem:s2+$0x18130] =	vst v16  }
0x104: {  	v12 =	vmul.f32 $3.125000000e-02, v31;
	v16 =	vld [tilespmem:s28+$0x8130];
	[tilespmem:s2+$0x1A130] =	vst v23  }
0x105: {  	v11 =	vmul.f32 $3.125000000e-02, v11;
	v23 =	vld [tilespmem:s28+$0xA130];
	[tilespmem:s2+$0x14140] =	vst v18  }
0x106: {  	v15 =	vmul.f32 $3.125000000e-02, v15;
	v18 =	vld [tilespmem:s28+$0x4140];
	[tilespmem:s2+$0x16140] =	vst v27  }
0x107: {  	v13 =	vmul.f32 $3.125000000e-02, v13;
	v27 =	vld [tilespmem:s28+$0x6140];
	[tilespmem:s2+$0x18140] =	vst v24  }
0x108: {  	v20 =	vmul.f32 $3.125000000e-02, v20;
	v24 =	vld [tilespmem:s28+$0x8140];
	[tilespmem:s2+$0x1A140] =	vst v21  }
0x109: {  	v16 =	vmul.f32 $3.125000000e-02, v16;
	v21 =	vld [tilespmem:s28+$0xA140];
	[tilespmem:s2+$0x14150] =	vst v17  }
0x10a: {  	v23 =	vmul.f32 $3.125000000e-02, v23;
	v17 =	vld [tilespmem:s28+$0x4150];
	[tilespmem:s2+$0x16150] =	vst v28  }
0x10b: {  	v18 =	vmul.f32 $3.125000000e-02, v18;
	v28 =	vld [tilespmem:s28+$0x6150];
	[tilespmem:s2+$0x18150] =	vst v25  }
0x10c: {  	v27 =	vmul.f32 $3.125000000e-02, v27;
	v25 =	vld [tilespmem:s28+$0x8150];
	[tilespmem:s2+$0x1A150] =	vst v22  }
0x10d: {  	v24 =	vmul.f32 $3.125000000e-02, v24;
	v22 =	vld [tilespmem:s28+$0xA150];
	[tilespmem:s2+$0x14160] =	vst v14  }
0x10e: {  	v21 =	vmul.f32 $3.125000000e-02, v21;
	v14 =	vld [tilespmem:s28+$0x4160];
	[tilespmem:s2+$0x16160] =	vst v26  }
0x10f: {  	v17 =	vmul.f32 $3.125000000e-02, v17;
	v26 =	vld [tilespmem:s28+$0x6160];
	[tilespmem:s2+$0x18160] =	vst v19  }
0x110: {  	v28 =	vmul.f32 $3.125000000e-02, v28;
	v19 =	vld [tilespmem:s28+$0x8160];
	[tilespmem:s2+$0x1A160] =	vst v29;
	s2 =	smov.u32 s28  }
.Ltmp2:
0x111: {  	v25 =	vmul.f32 $3.125000000e-02, v25;
	v29 =	vld [tilespmem:s2+$0xA160];
	(pc) =	sbr.rel @p0 .LBB2_3-.Ltmp2, $4  }
0x112: {  	v33 =	vld [tilespmem:s2+$0x100];
	v22 =	vmul.f32 $3.125000000e-02, v22  }
0x113: {  	v32 =	vld [tilespmem:s2+$0x110];
	v14 =	vmul.f32 $3.125000000e-02, v14  }
0x114: {  	v31 =	vld [tilespmem:s2+$0x120];
	v26 =	vmul.f32 $3.125000000e-02, v26  }
0x115: {  	s26 =	sadd.s32 $0x400, s26;
	v30 =	vld [tilespmem:s2+$0x130];
	v19 =	vmul.f32 $3.125000000e-02, v19  }
0x116: {  	_ = 	snop  }
0x117: {  	v2 =	vadd.f32 v2, v33  }
0x118: {  	v3 =	vadd.f32 v3, v33  }
0x119: {  	v4 =	vadd.f32 v4, v33;
	[tilespmem:s2+$0x14100] =	vst v2  }
0x11a: {  	v50 =	vadd.f32 v8, v32;
	[tilespmem:s2+$0x16100] =	vst v3  }
0x11b: {  	v2 =	vadd.f32 v5, v33;
	[tilespmem:s2+$0x18100] =	vst v4  }
0x11c: {  	v3 =	vadd.f32 v6, v32;
	[tilespmem:s2+$0x16110] =	vst v50  }
0x11d: {  	v51 =	vadd.f32 v9, v31;
	[tilespmem:s2+$0x1A100] =	vst v2  }
0x11e: {  	v53 =	vadd.f32 v15, v31;
	[tilespmem:s2+$0x14110] =	vst v3  }
0x11f: {  	v54 =	vadd.f32 v16, v30;
	[tilespmem:s2+$0x14120] =	vst v51  }
0x120: {  	v2 =	vadd.f32 v7, v32;
	[tilespmem:s2+$0x1A120] =	vst v53  }
0x121: {  	v3 =	vadd.f32 v10, v32;
	[tilespmem:s2+$0x18130] =	vst v54  }
0x122: {  	v52 =	vld [tilespmem:s2+$0x140];
	[tilespmem:s2+$0x18110] =	vst v2;
	v2 =	vadd.f32 v12, v31  }
0x123: {  	[tilespmem:s2+$0x1A110] =	vst v3;
	v3 =	vadd.f32 v11, v31  }
0x124: {  	[tilespmem:s2+$0x16120] =	vst v2;
	v2 =	vadd.f32 v13, v30  }
0x125: {  	v55 =	vadd.f32 v23, v30;
	[tilespmem:s2+$0x18120] =	vst v3  }
0x126: {  	v3 =	vadd.f32 v20, v30;
	[tilespmem:s2+$0x14130] =	vst v2;
	v2 =	vld [tilespmem:s2+$0x150]  }
0x127: {  	v56 =	vadd.f32 v27, v52;
	[tilespmem:s2+$0x1A130] =	vst v55  }
0x128: {  	[tilespmem:s2+$0x16130] =	vst v3;
	v3 =	vadd.f32 v18, v52  }
0x129: {  	v57 =	vadd.f32 v24, v52;
	[tilespmem:s2+$0x16140] =	vst v56  }
0x12a: {  	v4 =	vadd.f32 v21, v52;
	[tilespmem:s2+$0x14140] =	vst v3;
	v3 =	vld [tilespmem:s2+$0x160]  }
0x12b: {  	[tilespmem:s2+$0x18140] =	vst v57;
	v58 =	vadd.f32 v17, v2  }
0x12c: {  	[tilespmem:s2+$0x1A140] =	vst v4;
	v59 =	vadd.f32 v28, v2  }
0x12d: {  	v60 =	vadd.f32 v25, v2;
	[tilespmem:s2+$0x14150] =	vst v58  }
0x12e: {  	v2 =	vadd.f32 v22, v2;
	[tilespmem:s2+$0x16150] =	vst v59  }
0x12f: {  	v61 =	vadd.f32 v14, v3;
	[tilespmem:s2+$0x18150] =	vst v60  }
0x130: {  	v62 =	vmul.f32 $3.125000000e-02, v29;
	v63 =	vadd.f32 v26, v3;
	[tilespmem:s2+$0x1A150] =	vst v2  }
0x131: {  	v2 =	vadd.f32 v19, v3;
	[tilespmem:s2+$0x14160] =	vst v61  }
0x132: {  	s14 =	sadd.s32 s6, s13;
	v3 =	vadd.f32 v62, v3;
	[tilespmem:s2+$0x16160] =	vst v63  }
0x133: {  	s15 =	sadd.s32 s10, s13;
	s14 =	sshll.u32 s14, $0x7;
	[tilespmem:s2+$0x18160] =	vst v2  }
0x134: {  	s14 =	sadd.s32 s4, s14;
	[tilespmem:s2+$0x1A160] =	vst v3;
	s2 =	sshll.u32 s15, $0x7  }
0x135: {  	[hbm4b:s14+s5] =	stream.linear.scatter [tilespmem:s19], [sflag:$0x9], $0x2000, $0x38;
	[tilespmem:$0x1C100] =	vst v63  }
0x136: {  	s20 =	sadd.s32 s11, s13;
	s2 =	sadd.s32 s4, s2;
	s19 =	simm.s32 $0x16100  }
0x137: {  	[hbm4b:s2+s5] =	stream.linear.scatter [tilespmem:s19], [sflag:$0xA], $0x2000, $0x38;
	[tilespmem:$0x1C100] =	vst v63  }
0x138: {  	s22 =	simm.s32 $0x18100;
	p0 =	seq.s32 s9, $0x3;
	s2 =	sshll.u32 s20, $0x7  }
.Ltmp3:
0x139: {  	s26 =	sadd.s32 s12, s13;
	s2 =	sadd.s32 s4, s2;
	(pc) =	sbr.rel @p0 .LBB2_6-.Ltmp3, $4  }
0x13a: {  	[hbm4b:s2+s5] =	stream.linear.scatter [tilespmem:s22], [sflag:$0xB], $0x2000, $0x38;
	[tilespmem:$0x1C100] =	vst v63  }
0x13b: {  	s2 =	sshll.u32 s26, $0x7  }
0x13c: {  	s28 =	simm.s32 $0x1A100;
	s2 =	sadd.s32 s4, s2  }
0x13d: {  	[hbm4b:s2+s5] =	stream.linear.scatter [tilespmem:s28], [sflag:$0xC], $0x2000, $0x38;
	[tilespmem:$0x1C100] =	vst v63  }
0x13e: {  	s2 =	sadd.s32 $0x10, s13  }
0x13f: {  	s2 =	sadd.s32 s6, s2  }
0x140: {  	s14 =	rddreg [dreg:$0x2];
	s2 =	sshll.u32 s2, $0x7  }
0x141: {  	s22 =	simm.s32 $0x100;
	s2 =	sadd.s32 s14, s2  }
0x142: {  	[tilespmem:s22], [sflag:$0xD] =	stream.linear.gather [hbm4b:s2+s5], $0x2000, $0x38;
	[tilespmem:$0x1C100] =	vst v63  }
0x143: {  	v2 =	vld.msk [tilespmem:s13+$0x10], $0xff;
	_ =	sdelay $0x4  }
0x144: {  	v3 =	vshll.u32 v2, $0x3  }
0x145: {  	v2 =	vand.u32 $0x7, v2;
	v3 =	vand.u32 $0xFFFFFFC0, v3  }
0x146: {  	v2 =	vor.u32 v2, v3  }
0x147: {  	v2 =	vperm.xlane v2, v0;
	_ =	sdelay $0x1  }
0x148: {  	v2 =	vadd.s32 v1, v2;
	_ =	sdelay $0x3  }
0x149: {  	s26 =	simm.s32 $0x4100  }
0x14a: {  	[tilespmem:s26], [sflag:$0x1] =	stream.indirect_vreg.gather [hbm4b:s1+s5], $0x80, v2, vm0, $0xb8;
	[tilespmem:$0x1C100] =	vst v63  }
0x14b: {  	s28 =	simm.s32 $0x4900  }
0x14c: {  	[tilespmem:s28], [sflag:$0x1] =	stream.indirect_vreg.gather [hbm4b:s16+s5], $0x80, v2, vm0, $0xb8;
	[tilespmem:$0x1C100] =	vst v63  }
0x14d: {  	s14 =	simm.s32 $0x5100  }
0x14e: {  	[tilespmem:s14], [sflag:$0x1] =	stream.indirect_vreg.gather [hbm4b:s17+s5], $0x80, v2, vm0, $0xb8;
	[tilespmem:$0x1C100] =	vst v63  }
0x14f: {  	s15 =	simm.s32 $0x5900  }
0x150: {  	[tilespmem:s15], [sflag:$0x1] =	stream.indirect_vreg.gather [hbm4b:s18+s5], $0x80, v2, vm0, $0xb8;
	[tilespmem:$0x1C100] =	vst v63  }
0x151: {  	v2 =	vld.msk [tilespmem:s13+$0x50], $0xff;
	_ =	sdelay $0x4  }
0x152: {  	v3 =	vshll.u32 v2, $0x3  }
0x153: {  	v2 =	vand.u32 $0x7, v2;
	v3 =	vand.u32 $0xFFFFFFC0, v3  }
0x154: {  	v2 =	vor.u32 v2, v3  }
0x155: {  	v2 =	vperm.xlane v2, v0;
	_ =	sdelay $0x1  }
0x156: {  	v2 =	vadd.s32 v1, v2;
	_ =	sdelay $0x3  }
0x157: {  	s19 =	simm.s32 $0x6100  }
0x158: {  	[tilespmem:s19], [sflag:$0x2] =	stream.indirect_vreg.gather [hbm4b:s1+s5], $0x80, v2, vm0, $0xb8;
	[tilespmem:$0x1C100] =	vst v63  }
0x159: {  	s20 =	simm.s32 $0x6900  }
0x15a: {  	[tilespmem:s20], [sflag:$0x2] =	stream.indirect_vreg.gather [hbm4b:s16+s5], $0x80, v2, vm0, $0xb8;
	[tilespmem:$0x1C100] =	vst v63  }
0x15b: {  	s22 =	simm.s32 $0x7100  }
0x15c: {  	[tilespmem:s22], [sflag:$0x2] =	stream.indirect_vreg.gather [hbm4b:s17+s5], $0x80, v2, vm0, $0xb8;
	[tilespmem:$0x1C100] =	vst v63  }
0x15d: {  	s26 =	simm.s32 $0x7900  }
0x15e: {  	[tilespmem:s26], [sflag:$0x2] =	stream.indirect_vreg.gather [hbm4b:s18+s5], $0x80, v2, vm0, $0xb8;
	[tilespmem:$0x1C100] =	vst v63  }
0x15f: {  	v2 =	vld.msk [tilespmem:s13+$0x90], $0xff;
	_ =	sdelay $0x4  }
0x160: {  	v3 =	vshll.u32 v2, $0x3  }
0x161: {  	v2 =	vand.u32 $0x7, v2;
	v3 =	vand.u32 $0xFFFFFFC0, v3  }
0x162: {  	v2 =	vor.u32 v2, v3  }
0x163: {  	v2 =	vperm.xlane v2, v0;
	_ =	sdelay $0x1  }
0x164: {  	v2 =	vadd.s32 v1, v2;
	_ =	sdelay $0x3  }
0x165: {  	s28 =	simm.s32 $0x8100  }
0x166: {  	[tilespmem:s28], [sflag:$0x3] =	stream.indirect_vreg.gather [hbm4b:s1+s5], $0x80, v2, vm0, $0xb8;
	[tilespmem:$0x1C100] =	vst v63  }
0x167: {  	s14 =	simm.s32 $0x8900  }
0x168: {  	[tilespmem:s14], [sflag:$0x3] =	stream.indirect_vreg.gather [hbm4b:s16+s5], $0x80, v2, vm0, $0xb8;
	[tilespmem:$0x1C100] =	vst v63  }
0x169: {  	s15 =	simm.s32 $0x9100  }
0x16a: {  	[tilespmem:s15], [sflag:$0x3] =	stream.indirect_vreg.gather [hbm4b:s17+s5], $0x80, v2, vm0, $0xb8;
	[tilespmem:$0x1C100] =	vst v63  }
0x16b: {  	s19 =	simm.s32 $0x9900  }
0x16c: {  	[tilespmem:s19], [sflag:$0x3] =	stream.indirect_vreg.gather [hbm4b:s18+s5], $0x80, v2, vm0, $0xb8;
	[tilespmem:$0x1C100] =	vst v63  }
0x16d: {  	v2 =	vld.msk [tilespmem:s13+$0xD0], $0xff;
	_ =	sdelay $0x4  }
0x16e: {  	v3 =	vshll.u32 v2, $0x3  }
0x16f: {  	v2 =	vand.u32 $0x7, v2;
	v3 =	vand.u32 $0xFFFFFFC0, v3  }
0x170: {  	v2 =	vor.u32 v2, v3  }
0x171: {  	v2 =	vperm.xlane v2, v0;
	_ =	sdelay $0x1  }
0x172: {  	v2 =	vadd.s32 v1, v2;
	_ =	sdelay $0x3  }
0x173: {  	s20 =	simm.s32 $0xA100  }
0x174: {  	[tilespmem:s20], [sflag:$0x4] =	stream.indirect_vreg.gather [hbm4b:s1+s5], $0x80, v2, vm0, $0xb8;
	[tilespmem:$0x1C100] =	vst v63  }
0x175: {  	s22 =	simm.s32 $0xA900  }
0x176: {  	[tilespmem:s22], [sflag:$0x4] =	stream.indirect_vreg.gather [hbm4b:s16+s5], $0x80, v2, vm0, $0xb8;
	[tilespmem:$0x1C100] =	vst v63  }
0x177: {  	s26 =	simm.s32 $0xB100  }
0x178: {  	[tilespmem:s26], [sflag:$0x4] =	stream.indirect_vreg.gather [hbm4b:s17+s5], $0x80, v2, vm0, $0xb8;
	[tilespmem:$0x1C100] =	vst v63  }
0x179: {  	s28 =	simm.s32 $0xB900  }
0x17a: {  	[tilespmem:s28], [sflag:$0x4] =	stream.indirect_vreg.gather [hbm4b:s18+s5], $0x80, v2, vm0, $0xb8;
	[tilespmem:$0x1C100] =	vst v63  }
.LBB2_6:
0x17b: {  	_ =	swait.ge [sflag:s29], $0x2000  }
0x17c: {  	[sflag:s29] =	ssyncset.done $0x0  }
0x17d: {  	[sflag:s29] =	ssyncadd.s32 $0xFFFFE000  }
0x17e: {  	_ =	swait.ge [sflag:s30], $0x2000  }
0x17f: {  	[sflag:s30] =	ssyncset.done $0x0  }
0x180: {  	[sflag:s30] =	ssyncadd.s32 $0xFFFFE000  }
0x181: {  	_ =	swait.ge [sflag:s31], $0x2000  }
0x182: {  	[sflag:s31] =	ssyncset.done $0x0  }
0x183: {  	[sflag:s31] =	ssyncadd.s32 $0xFFFFE000  }
0x184: {  	_ =	swait.ge [sflag:s0], $0x2000  }
0x185: {  	[sflag:s0] =	ssyncset.done $0x0  }
0x186: {  	[sflag:s0] =	ssyncadd.s32 $0xFFFFE000  }
0x187: {  	_ =	swait.ge [sflag:s3], $0x2000  }
0x188: {  	[sflag:s3] =	ssyncset.done $0x0  }
0x189: {  	[sflag:s3] =	ssyncadd.s32 $0xFFFFE000  }
0x18a: {  	_ =	swait.ge [sflag:s23], $0x2000  }
0x18b: {  	[sflag:s23] =	ssyncset.done $0x0  }
0x18c: {  	[sflag:s23] =	ssyncadd.s32 $0xFFFFE000  }
0x18d: {  	_ =	swait.ge [sflag:s24], $0x2000  }
0x18e: {  	[sflag:s24] =	ssyncset.done $0x0  }
0x18f: {  	[sflag:s24] =	ssyncadd.s32 $0xFFFFE000  }
0x190: {  	_ =	swait.ge [sflag:s25], $0x2000  }
0x191: {  	[sflag:s25] =	ssyncset.done $0x0  }
0x192: {  	s22 =	simm.s32 $0x0;
	[sflag:s25] =	ssyncadd.s32 $0xFFFFE000  }
0x193: {  	s2 =	sand.u32 $0x1C00, s22;
	_ =	swait.ge [sflag:s8], $0x2000  }
0x194: {  	s14 =	sor.u32 s2, s22;
	[sflag:s8] =	ssyncset.done $0x0  }
0x195: {  	s14 =	sor.u32 $0x70, s14;
	[sflag:s8] =	ssyncadd.s32 $0xFFFFE000  }
0x196: {  	v2 =	vld [tilespmem:s14+$0x12100]  }
0x197: {  	v3 =	vld [tilespmem:s14+$0xC100]  }
0x198: {  	v14 =	vld [tilespmem:s14+$0x2100]  }
0x199: {  	s15 =	sand.u32 $0x380, s22;
	v4 =	vld [tilespmem:s14+$0xE100]  }
0x19a: {  	s2 =	sor.u32 s15, s2;
	v5 =	vld [tilespmem:s14+$0x10100]  }
0x19b: {  	v6 =	vld [tilespmem:s2+$0xC100]  }
0x19c: {  	v7 =	vld [tilespmem:s2+$0xE100]  }
0x19d: {  	v8 =	vld [tilespmem:s2+$0x10100]  }
0x19e: {  	v9 =	vld [tilespmem:s2+$0x12100]  }
0x19f: {  	v10 =	vld [tilespmem:s2+$0xC110]  }
0x1a0: {  	v11 =	vld [tilespmem:s2+$0xE110]  }
0x1a1: {  	v12 =	vld [tilespmem:s2+$0x10110]  }
0x1a2: {  	v13 =	vld [tilespmem:s2+$0x12110]  }
0x1a3: {  	v15 =	vld [tilespmem:s2+$0xC120]  }
0x1a4: {  	v16 =	vld [tilespmem:s2+$0xE120]  }
0x1a5: {  	v17 =	vld [tilespmem:s2+$0x10120]  }
0x1a6: {  	v18 =	vld [tilespmem:s2+$0x12120]  }
0x1a7: {  	v19 =	vld [tilespmem:s2+$0xC130]  }
0x1a8: {  	v20 =	vld [tilespmem:s2+$0xE130]  }
0x1a9: {  	v21 =	vld [tilespmem:s2+$0x10130]  }
0x1aa: {  	v22 =	vld [tilespmem:s2+$0x12130]  }
0x1ab: {  	v25 =	vld [tilespmem:s2+$0xC140];
	v23 =	vmul.f32 $3.125000000e-02, v2  }
0x1ac: {  	v27 =	vld [tilespmem:s2+$0xE140];
	v26 =	vmul.f32 $3.125000000e-02, v3;
	v28 =	vmul.f32 $3.125000000e-02, v4  }
0x1ad: {  	v29 =	vld [tilespmem:s2+$0x10140];
	v30 =	vmul.f32 $3.125000000e-02, v5;
	v2 =	vmul.f32 $3.125000000e-02, v6  }
0x1ae: {  	v31 =	vld [tilespmem:s2+$0x12140];
	v3 =	vmul.f32 $3.125000000e-02, v7;
	v4 =	vmul.f32 $3.125000000e-02, v8  }
0x1af: {  	v32 =	vld [tilespmem:s2+$0xC150];
	v5 =	vmul.f32 $3.125000000e-02, v9;
	v6 =	vmul.f32 $3.125000000e-02, v10  }
0x1b0: {  	v34 =	vld [tilespmem:s2+$0xE150];
	v8 =	vmul.f32 $3.125000000e-02, v11;
	v7 =	vmul.f32 $3.125000000e-02, v12  }
0x1b1: {  	v35 =	vld [tilespmem:s2+$0x10150];
	v10 =	vmul.f32 $3.125000000e-02, v13;
	v9 =	vmul.f32 $3.125000000e-02, v15  }
0x1b2: {  	v36 =	vld [tilespmem:s2+$0x12150];
	v12 =	vmul.f32 $3.125000000e-02, v16;
	v11 =	vmul.f32 $3.125000000e-02, v17  }
0x1b3: {  	v37 =	vld [tilespmem:s2+$0xE160];
	v15 =	vmul.f32 $3.125000000e-02, v18;
	v13 =	vmul.f32 $3.125000000e-02, v19  }
0x1b4: {  	v38 =	vld [tilespmem:s2+$0x10160];
	v20 =	vmul.f32 $3.125000000e-02, v20;
	v16 =	vmul.f32 $3.125000000e-02, v21  }
0x1b5: {  	v18 =	vld [tilespmem:s2+$0xC160];
	v24 =	vmul.f32 $3.125000000e-02, v22;
	v19 =	vmul.f32 $3.125000000e-02, v25;
	v17 =	vadd.f32 v23, v14  }
0x1b6: {  	v27 =	vmul.f32 $3.125000000e-02, v27;
	v25 =	vmul.f32 $3.125000000e-02, v29;
	v29 =	vld [tilespmem:s2+$0x12160];
	v22 =	vadd.f32 v26, v14  }
0x1b7: {  	v33 =	vld [tilespmem:s2+$0x2100];
	v21 =	vmul.f32 $3.125000000e-02, v31;
	v23 =	vadd.f32 v28, v14;
	v28 =	vmul.f32 $3.125000000e-02, v34;
	[tilespmem:s14+$0x1A100] =	vst v17  }
0x1b8: {  	v31 =	vld [tilespmem:s2+$0x2120];
	v30 =	vadd.f32 v30, v14;
	v26 =	vmul.f32 $3.125000000e-02, v35;
	v17 =	vmul.f32 $3.125000000e-02, v32;
	[tilespmem:s14+$0x14100] =	vst v22  }
0x1b9: {  	v32 =	vld [tilespmem:s2+$0x2110];
	[tilespmem:s14+$0x16100] =	vst v23;
	v22 =	vmul.f32 $3.125000000e-02, v36;
	v23 =	vmul.f32 $3.125000000e-02, v37  }
0x1ba: {  	s20 =	simm.s32 $0x0;
	s26 =	simm.s32 $0x400;
	[tilespmem:s14+$0x18100] =	vst v30;
	v30 =	vld [tilespmem:s2+$0x2130];
	v14 =	vmul.f32 $3.125000000e-02, v18;
	v18 =	vmul.f32 $3.125000000e-02, v38  }
.LBB2_7:
0x1bb: {  	s14 =	sand.u32 $0x1C00, s26;
	s20 =	sadd.s32 $0x8, s20;
	v34 =	vld [tilespmem:s2+$0x2140];
	v29 =	vmul.f32 $3.125000000e-02, v29;
	s22 =	sadd.s32 $0x10, s22  }
0x1bc: {  	s15 =	sand.u32 $0x380, s22;
	s19 =	sor.u32 s14, s22;
	p1 =	slt.u32 s20, $0x1F8;
	v2 =	vadd.f32 v2, v33;
	v3 =	vadd.f32 v3, v33;
	v35 =	vld [tilespmem:s2+$0x2150]  }
0x1bd: {  	v4 =	vadd.f32 v4, v33;
	v5 =	vadd.f32 v5, v33;
	s28 =	sor.u32 s15, s14;
	s14 =	sor.u32 $0x70, s19;
	v33 =	vld [tilespmem:s2+$0x2160]  }
0x1be: {  	v36 =	vld [tilespmem:s14+$0x12100];
	[tilespmem:s2+$0x14100] =	vst v2;
	v2 =	vadd.f32 v6, v32;
	v6 =	vadd.f32 v8, v32  }
0x1bf: {  	v8 =	vld [tilespmem:s14+$0xC100];
	[tilespmem:s2+$0x16100] =	vst v3;
	v3 =	vadd.f32 v7, v32;
	v7 =	vadd.f32 v10, v32  }
0x1c0: {  	v10 =	vld [tilespmem:s14+$0x2100];
	[tilespmem:s2+$0x18100] =	vst v4;
	v4 =	vadd.f32 v9, v31;
	v9 =	vadd.f32 v12, v31  }
0x1c1: {  	v11 =	vadd.f32 v11, v31;
	v15 =	vadd.f32 v15, v31;
	v12 =	vld [tilespmem:s14+$0xE100];
	[tilespmem:s2+$0x1A100] =	vst v5  }
0x1c2: {  	v13 =	vadd.f32 v13, v30;
	v20 =	vadd.f32 v20, v30;
	v5 =	vld [tilespmem:s14+$0x10100];
	[tilespmem:s2+$0x14110] =	vst v2  }
0x1c3: {  	v16 =	vadd.f32 v16, v30;
	v24 =	vadd.f32 v24, v30;
	v2 =	vld [tilespmem:s28+$0xC100];
	v31 =	vmul.f32 $3.125000000e-02, v36;
	[tilespmem:s2+$0x16110] =	vst v6  }
0x1c4: {  	v19 =	vadd.f32 v19, v34;
	v27 =	vadd.f32 v27, v34;
	v6 =	vld [tilespmem:s28+$0xE100];
	v8 =	vmul.f32 $3.125000000e-02, v8;
	[tilespmem:s2+$0x18110] =	vst v3  }
0x1c5: {  	v25 =	vadd.f32 v25, v34;
	v30 =	vld [tilespmem:s28+$0x10100];
	v3 =	vadd.f32 v31, v10;
	[tilespmem:s2+$0x1A110] =	vst v7  }
0x1c6: {  	v21 =	vadd.f32 v21, v34;
	v7 =	vld [tilespmem:s28+$0x12100];
	v8 =	vadd.f32 v8, v10;
	v12 =	vmul.f32 $3.125000000e-02, v12;
	[tilespmem:s2+$0x14120] =	vst v4  }
0x1c7: {  	v17 =	vadd.f32 v17, v35;
	v28 =	vadd.f32 v28, v35;
	v31 =	vld [tilespmem:s28+$0xC110];
	v4 =	vmul.f32 $3.125000000e-02, v5;
	[tilespmem:s14+$0x1A100] =	vst v3  }
0x1c8: {  	v26 =	vadd.f32 v26, v35;
	v2 =	vmul.f32 $3.125000000e-02, v2;
	v32 =	vld [tilespmem:s28+$0xE110];
	[tilespmem:s14+$0x14100] =	vst v8;
	v5 =	vadd.f32 v12, v10  }
0x1c9: {  	v22 =	vadd.f32 v22, v35;
	v3 =	vmul.f32 $3.125000000e-02, v6;
	v12 =	vld [tilespmem:s28+$0x10110];
	v6 =	vadd.f32 v4, v10;
	[tilespmem:s2+$0x16120] =	vst v9  }
0x1ca: {  	v14 =	vadd.f32 v14, v33;
	v23 =	vadd.f32 v23, v33;
	v4 =	vmul.f32 $3.125000000e-02, v30;
	v9 =	vld [tilespmem:s28+$0x12110];
	[tilespmem:s14+$0x16100] =	vst v5  }
0x1cb: {  	v18 =	vadd.f32 v18, v33;
	v29 =	vadd.f32 v29, v33;
	v5 =	vmul.f32 $3.125000000e-02, v7;
	v30 =	vld [tilespmem:s28+$0xC120];
	[tilespmem:s14+$0x18100] =	vst v6  }
0x1cc: {  	v6 =	vmul.f32 $3.125000000e-02, v31;
	v31 =	vld [tilespmem:s28+$0xE120];
	[tilespmem:s2+$0x18120] =	vst v11  }
0x1cd: {  	v8 =	vmul.f32 $3.125000000e-02, v32;
	v11 =	vld [tilespmem:s28+$0x10120];
	[tilespmem:s2+$0x1A120] =	vst v15  }
0x1ce: {  	v7 =	vmul.f32 $3.125000000e-02, v12;
	v15 =	vld [tilespmem:s28+$0x12120];
	[tilespmem:s2+$0x14130] =	vst v13  }
0x1cf: {  	v10 =	vmul.f32 $3.125000000e-02, v9;
	v13 =	vld [tilespmem:s28+$0xC130];
	[tilespmem:s2+$0x16130] =	vst v20  }
0x1d0: {  	v9 =	vmul.f32 $3.125000000e-02, v30;
	v20 =	vld [tilespmem:s28+$0xE130];
	[tilespmem:s2+$0x18130] =	vst v16  }
0x1d1: {  	v12 =	vmul.f32 $3.125000000e-02, v31;
	v16 =	vld [tilespmem:s28+$0x10130];
	[tilespmem:s2+$0x1A130] =	vst v24  }
0x1d2: {  	v11 =	vmul.f32 $3.125000000e-02, v11;
	v24 =	vld [tilespmem:s28+$0x12130];
	[tilespmem:s2+$0x14140] =	vst v19  }
0x1d3: {  	v15 =	vmul.f32 $3.125000000e-02, v15;
	v19 =	vld [tilespmem:s28+$0xC140];
	[tilespmem:s2+$0x16140] =	vst v27  }
0x1d4: {  	v13 =	vmul.f32 $3.125000000e-02, v13;
	v27 =	vld [tilespmem:s28+$0xE140];
	[tilespmem:s2+$0x18140] =	vst v25  }
0x1d5: {  	v20 =	vmul.f32 $3.125000000e-02, v20;
	v25 =	vld [tilespmem:s28+$0x10140];
	[tilespmem:s2+$0x1A140] =	vst v21  }
0x1d6: {  	v16 =	vmul.f32 $3.125000000e-02, v16;
	v21 =	vld [tilespmem:s28+$0x12140];
	[tilespmem:s2+$0x14150] =	vst v17  }
0x1d7: {  	v24 =	vmul.f32 $3.125000000e-02, v24;
	v17 =	vld [tilespmem:s28+$0xC150];
	[tilespmem:s2+$0x16150] =	vst v28  }
0x1d8: {  	v19 =	vmul.f32 $3.125000000e-02, v19;
	v28 =	vld [tilespmem:s28+$0xE150];
	[tilespmem:s2+$0x18150] =	vst v26  }
0x1d9: {  	v27 =	vmul.f32 $3.125000000e-02, v27;
	v26 =	vld [tilespmem:s28+$0x10150];
	[tilespmem:s2+$0x1A150] =	vst v22  }
0x1da: {  	v25 =	vmul.f32 $3.125000000e-02, v25;
	v22 =	vld [tilespmem:s28+$0x12150];
	[tilespmem:s2+$0x14160] =	vst v14  }
0x1db: {  	v21 =	vmul.f32 $3.125000000e-02, v21;
	v14 =	vld [tilespmem:s28+$0xC160];
	[tilespmem:s2+$0x16160] =	vst v23  }
0x1dc: {  	v17 =	vmul.f32 $3.125000000e-02, v17;
	v23 =	vld [tilespmem:s28+$0xE160];
	[tilespmem:s2+$0x18160] =	vst v18  }
0x1dd: {  	v28 =	vmul.f32 $3.125000000e-02, v28;
	v18 =	vld [tilespmem:s28+$0x10160];
	[tilespmem:s2+$0x1A160] =	vst v29;
	s2 =	smov.u32 s28  }
.Ltmp4:
0x1de: {  	v26 =	vmul.f32 $3.125000000e-02, v26;
	v29 =	vld [tilespmem:s2+$0x12160];
	(pc) =	sbr.rel @p1 .LBB2_7-.Ltmp4, $4  }
0x1df: {  	v33 =	vld [tilespmem:s2+$0x2100];
	v22 =	vmul.f32 $3.125000000e-02, v22  }
0x1e0: {  	v32 =	vld [tilespmem:s2+$0x2110];
	v14 =	vmul.f32 $3.125000000e-02, v14  }
0x1e1: {  	v31 =	vld [tilespmem:s2+$0x2120];
	v23 =	vmul.f32 $3.125000000e-02, v23  }
0x1e2: {  	s26 =	sadd.s32 $0x400, s26;
	v30 =	vld [tilespmem:s2+$0x2130];
	v18 =	vmul.f32 $3.125000000e-02, v18  }
0x1e3: {  	_ = 	snop  }
0x1e4: {  	v2 =	vadd.f32 v2, v33  }
0x1e5: {  	v3 =	vadd.f32 v3, v33  }
0x1e6: {  	v4 =	vadd.f32 v4, v33;
	[tilespmem:s2+$0x14100] =	vst v2  }
0x1e7: {  	v50 =	vadd.f32 v8, v32;
	[tilespmem:s2+$0x16100] =	vst v3  }
0x1e8: {  	v2 =	vadd.f32 v5, v33;
	[tilespmem:s2+$0x18100] =	vst v4  }
0x1e9: {  	v3 =	vadd.f32 v6, v32;
	[tilespmem:s2+$0x16110] =	vst v50  }
0x1ea: {  	v51 =	vadd.f32 v9, v31;
	[tilespmem:s2+$0x1A100] =	vst v2  }
0x1eb: {  	v53 =	vadd.f32 v15, v31;
	[tilespmem:s2+$0x14110] =	vst v3  }
0x1ec: {  	v54 =	vadd.f32 v16, v30;
	[tilespmem:s2+$0x14120] =	vst v51  }
0x1ed: {  	v2 =	vadd.f32 v7, v32;
	[tilespmem:s2+$0x1A120] =	vst v53  }
0x1ee: {  	v3 =	vadd.f32 v10, v32;
	[tilespmem:s2+$0x18130] =	vst v54  }
0x1ef: {  	v52 =	vld [tilespmem:s2+$0x2140];
	[tilespmem:s2+$0x18110] =	vst v2;
	v2 =	vadd.f32 v12, v31  }
0x1f0: {  	[tilespmem:s2+$0x1A110] =	vst v3;
	v3 =	vadd.f32 v11, v31  }
0x1f1: {  	[tilespmem:s2+$0x16120] =	vst v2;
	v2 =	vadd.f32 v13, v30  }
0x1f2: {  	v55 =	vadd.f32 v24, v30;
	[tilespmem:s2+$0x18120] =	vst v3  }
0x1f3: {  	v3 =	vadd.f32 v20, v30;
	[tilespmem:s2+$0x14130] =	vst v2;
	v2 =	vld [tilespmem:s2+$0x2150]  }
0x1f4: {  	v56 =	vadd.f32 v27, v52;
	[tilespmem:s2+$0x1A130] =	vst v55  }
0x1f5: {  	[tilespmem:s2+$0x16130] =	vst v3;
	v3 =	vadd.f32 v19, v52  }
0x1f6: {  	v57 =	vadd.f32 v25, v52;
	[tilespmem:s2+$0x16140] =	vst v56  }
0x1f7: {  	v4 =	vadd.f32 v21, v52;
	[tilespmem:s2+$0x14140] =	vst v3;
	v3 =	vld [tilespmem:s2+$0x2160]  }
0x1f8: {  	[tilespmem:s2+$0x18140] =	vst v57;
	v58 =	vadd.f32 v17, v2  }
0x1f9: {  	[tilespmem:s2+$0x1A140] =	vst v4;
	v59 =	vadd.f32 v28, v2  }
0x1fa: {  	v60 =	vadd.f32 v26, v2;
	[tilespmem:s2+$0x14150] =	vst v58  }
0x1fb: {  	v2 =	vadd.f32 v22, v2;
	[tilespmem:s2+$0x16150] =	vst v59  }
0x1fc: {  	v61 =	vadd.f32 v14, v3;
	[tilespmem:s2+$0x18150] =	vst v60  }
0x1fd: {  	v62 =	vmul.f32 $3.125000000e-02, v29;
	v63 =	vadd.f32 v23, v3;
	[tilespmem:s2+$0x1A150] =	vst v2  }
0x1fe: {  	s14 =	sor.u32 $0x8, s13;
	v2 =	vadd.f32 v18, v3;
	[tilespmem:s2+$0x14160] =	vst v61  }
0x1ff: {  	s15 =	sadd.s32 s6, s14;
	v3 =	vadd.f32 v62, v3;
	[tilespmem:s2+$0x16160] =	vst v63  }
0x200: {  	s26 =	sadd.s32 s10, s14;
	s15 =	sshll.u32 s15, $0x7;
	[tilespmem:s2+$0x18160] =	vst v2  }
0x201: {  	s19 =	simm.s32 $0x14100;
	s22 =	sadd.s32 s4, s15;
	[tilespmem:s2+$0x1A160] =	vst v3;
	s2 =	sshll.u32 s26, $0x7  }
0x202: {  	[hbm4b:s22+s5] =	stream.linear.scatter [tilespmem:s19], [sflag:$0x9], $0x2000, $0x38;
	[tilespmem:$0x1C100] =	vst v63  }
0x203: {  	s28 =	simm.s32 $0x16100;
	s20 =	sadd.s32 s11, s14;
	s2 =	sadd.s32 s4, s2  }
0x204: {  	[hbm4b:s2+s5] =	stream.linear.scatter [tilespmem:s28], [sflag:$0xA], $0x2000, $0x38;
	[tilespmem:$0x1C100] =	vst v63  }
0x205: {  	s26 =	sadd.s32 s12, s14;
	s2 =	sshll.u32 s20, $0x7  }
.Ltmp5:
0x206: {  	s22 =	simm.s32 $0x18100;
	s2 =	sadd.s32 s4, s2;
	(pc) =	sbr.rel @p0 .LBB2_10-.Ltmp5, $4  }
0x207: {  	[hbm4b:s2+s5] =	stream.linear.scatter [tilespmem:s22], [sflag:$0xB], $0x2000, $0x38;
	[tilespmem:$0x1C100] =	vst v63  }
0x208: {  	s2 =	sshll.u32 s26, $0x7  }
0x209: {  	s28 =	simm.s32 $0x1A100;
	s2 =	sadd.s32 s4, s2  }
0x20a: {  	[hbm4b:s2+s5] =	stream.linear.scatter [tilespmem:s28], [sflag:$0xC], $0x2000, $0x38;
	[tilespmem:$0x1C100] =	vst v63  }
0x20b: {  	s2 =	sadd.s32 $0x18, s13  }
0x20c: {  	s2 =	sadd.s32 s6, s2  }
0x20d: {  	s14 =	rddreg [dreg:$0x2];
	s2 =	sshll.u32 s2, $0x7  }
0x20e: {  	s15 =	simm.s32 $0x2100;
	s2 =	sadd.s32 s14, s2  }
0x20f: {  	[tilespmem:s15], [sflag:$0xE] =	stream.linear.gather [hbm4b:s2+s5], $0x2000, $0x38;
	[tilespmem:$0x1C100] =	vst v63  }
0x210: {  	v2 =	vld.msk [tilespmem:s13+$0x18], $0xff;
	_ =	sdelay $0x4  }
0x211: {  	v3 =	vshll.u32 v2, $0x3  }
0x212: {  	v2 =	vand.u32 $0x7, v2;
	v3 =	vand.u32 $0xFFFFFFC0, v3  }
0x213: {  	v2 =	vor.u32 v2, v3  }
0x214: {  	v2 =	vperm.xlane v2, v0;
	_ =	sdelay $0x1  }
0x215: {  	v2 =	vadd.s32 v1, v2;
	_ =	sdelay $0x3  }
0x216: {  	s20 =	simm.s32 $0xC100  }
0x217: {  	[tilespmem:s20], [sflag:$0x5] =	stream.indirect_vreg.gather [hbm4b:s1+s5], $0x80, v2, vm0, $0xb8;
	[tilespmem:$0x1C100] =	vst v63  }
0x218: {  	s22 =	simm.s32 $0xC900  }
0x219: {  	[tilespmem:s22], [sflag:$0x5] =	stream.indirect_vreg.gather [hbm4b:s16+s5], $0x80, v2, vm0, $0xb8;
	[tilespmem:$0x1C100] =	vst v63  }
0x21a: {  	s26 =	simm.s32 $0xD100  }
0x21b: {  	[tilespmem:s26], [sflag:$0x5] =	stream.indirect_vreg.gather [hbm4b:s17+s5], $0x80, v2, vm0, $0xb8;
	[tilespmem:$0x1C100] =	vst v63  }
0x21c: {  	s28 =	simm.s32 $0xD900  }
0x21d: {  	[tilespmem:s28], [sflag:$0x5] =	stream.indirect_vreg.gather [hbm4b:s18+s5], $0x80, v2, vm0, $0xb8;
	[tilespmem:$0x1C100] =	vst v63  }
0x21e: {  	v2 =	vld.msk [tilespmem:s13+$0x58], $0xff;
	_ =	sdelay $0x4  }
0x21f: {  	v3 =	vshll.u32 v2, $0x3  }
0x220: {  	v2 =	vand.u32 $0x7, v2;
	v3 =	vand.u32 $0xFFFFFFC0, v3  }
0x221: {  	v2 =	vor.u32 v2, v3  }
0x222: {  	v2 =	vperm.xlane v2, v0;
	_ =	sdelay $0x1  }
0x223: {  	v2 =	vadd.s32 v1, v2;
	_ =	sdelay $0x3  }
0x224: {  	s14 =	simm.s32 $0xE100  }
0x225: {  	[tilespmem:s14], [sflag:$0x6] =	stream.indirect_vreg.gather [hbm4b:s1+s5], $0x80, v2, vm0, $0xb8;
	[tilespmem:$0x1C100] =	vst v63  }
0x226: {  	s15 =	simm.s32 $0xE900  }
0x227: {  	[tilespmem:s15], [sflag:$0x6] =	stream.indirect_vreg.gather [hbm4b:s16+s5], $0x80, v2, vm0, $0xb8;
	[tilespmem:$0x1C100] =	vst v63  }
0x228: {  	s20 =	simm.s32 $0xF100  }
0x229: {  	[tilespmem:s20], [sflag:$0x6] =	stream.indirect_vreg.gather [hbm4b:s17+s5], $0x80, v2, vm0, $0xb8;
	[tilespmem:$0x1C100] =	vst v63  }
0x22a: {  	s22 =	simm.s32 $0xF900  }
0x22b: {  	[tilespmem:s22], [sflag:$0x6] =	stream.indirect_vreg.gather [hbm4b:s18+s5], $0x80, v2, vm0, $0xb8;
	[tilespmem:$0x1C100] =	vst v63  }
0x22c: {  	v2 =	vld.msk [tilespmem:s13+$0x98], $0xff;
	_ =	sdelay $0x4  }
0x22d: {  	v3 =	vshll.u32 v2, $0x3  }
0x22e: {  	v2 =	vand.u32 $0x7, v2;
	v3 =	vand.u32 $0xFFFFFFC0, v3  }
0x22f: {  	v2 =	vor.u32 v2, v3  }
0x230: {  	v2 =	vperm.xlane v2, v0;
	_ =	sdelay $0x1  }
0x231: {  	v2 =	vadd.s32 v1, v2;
	_ =	sdelay $0x3  }
0x232: {  	s26 =	simm.s32 $0x10100  }
0x233: {  	[tilespmem:s26], [sflag:$0x7] =	stream.indirect_vreg.gather [hbm4b:s1+s5], $0x80, v2, vm0, $0xb8;
	[tilespmem:$0x1C100] =	vst v63  }
0x234: {  	s28 =	simm.s32 $0x10900  }
0x235: {  	[tilespmem:s28], [sflag:$0x7] =	stream.indirect_vreg.gather [hbm4b:s16+s5], $0x80, v2, vm0, $0xb8;
	[tilespmem:$0x1C100] =	vst v63  }
0x236: {  	s14 =	simm.s32 $0x11100  }
0x237: {  	[tilespmem:s14], [sflag:$0x7] =	stream.indirect_vreg.gather [hbm4b:s17+s5], $0x80, v2, vm0, $0xb8;
	[tilespmem:$0x1C100] =	vst v63  }
0x238: {  	s15 =	simm.s32 $0x11900  }
0x239: {  	[tilespmem:s15], [sflag:$0x7] =	stream.indirect_vreg.gather [hbm4b:s18+s5], $0x80, v2, vm0, $0xb8;
	[tilespmem:$0x1C100] =	vst v63  }
0x23a: {  	v2 =	vld.msk [tilespmem:s13+$0xD8], $0xff;
	_ =	sdelay $0x4  }
0x23b: {  	v3 =	vshll.u32 v2, $0x3  }
0x23c: {  	v2 =	vand.u32 $0x7, v2;
	v3 =	vand.u32 $0xFFFFFFC0, v3  }
0x23d: {  	v2 =	vor.u32 v2, v3  }
0x23e: {  	v2 =	vperm.xlane v2, v0;
	_ =	sdelay $0x1  }
0x23f: {  	v2 =	vadd.s32 v1, v2;
	_ =	sdelay $0x3  }
0x240: {  	s20 =	simm.s32 $0x12100  }
0x241: {  	[tilespmem:s20], [sflag:$0x8] =	stream.indirect_vreg.gather [hbm4b:s1+s5], $0x80, v2, vm0, $0xb8;
	[tilespmem:$0x1C100] =	vst v63  }
0x242: {  	s22 =	simm.s32 $0x12900  }
0x243: {  	[tilespmem:s22], [sflag:$0x8] =	stream.indirect_vreg.gather [hbm4b:s16+s5], $0x80, v2, vm0, $0xb8;
	[tilespmem:$0x1C100] =	vst v63  }
.Ltmp6:
0x244: {  	_ = 	snop;
	(pc) =	sbr.rel .LBB2_2-.Ltmp6, $4  }
0x245: {  	s26 =	simm.s32 $0x13100  }
0x246: {  	[tilespmem:s26], [sflag:$0x8] =	stream.indirect_vreg.gather [hbm4b:s17+s5], $0x80, v2, vm0, $0xb8;
	[tilespmem:$0x1C100] =	vst v63  }
0x247: {  	s9 =	sadd.s32 $0x1, s9;
	s28 =	simm.s32 $0x13900  }
0x248: {  	[tilespmem:s28], [sflag:$0x8] =	stream.indirect_vreg.gather [hbm4b:s18+s5], $0x80, v2, vm0, $0xb8;
	[tilespmem:$0x1C100] =	vst v63  }
.LBB2_11:
0x249: {  	_ =	sfence.sel $0x180000  }
0x24a: {  	[bflag:$0x0] =	sbarrier.arrive $0xFFFF  }
0x24b: {  	_ =	strace $0x90000047  }
0x24c: {  	s0 =	stileid.u32;
	[bflag:$0x2] =	sbarrier.arrive $0xFFFF  }
0x24d: {  	p0 =	sne.s32 s0, $0x0;
	s0 =	rddreg [dreg:$0x4]  }
0x24e: {  	s0 =	sadd.s32 @!p0 $0x100000, s0  }
0x24f: {  	[sflag:s0] =	ssyncadd.tile.s32 @!p0 $0x1;
	_ =	shalt  }
.Lfunc_end2:
_tile_overlayer_lowered:
.L_overlay_start_2:
0x250: {  	(tag) =	ssettag $0x2  }
0x251: {  	s0 =	rddreg [dreg:$0x0];
	s2 =	stileid.u32  }
0x252: {  	s1 =	rddreg [dreg:$0x1];
	p0 =	sne.s32 s2, $0x0  }
0x253: {  	s3 =	rddreg [dreg:$0x2];
	[bflag:$0x3] =	sbarrier.arrive $0xFFFF;
	s2 =	simm.s32 @!p0 $0x1C0F  }
0x254: {  	[timem:s3], [sflag:s2] =	dma.local @!p0 [hbm:s0], s1  }
0x255: {  	s0 =	simm.s32 @!p0 $0xF  }
0x256: {  	_ =	swait.ge @!p0 [sflag:s0], s1  }
0x257: {  	s1 =	ssub.s32 @!p0 $0x0, s1;
	[sflag:s0] =	ssyncset.done @!p0 $0x0  }
0x258: {  	[sflag:s0] =	ssyncadd.s32 @!p0 s1  }
0x259: {  	[bflag:$0x3] =	sbarrier.arrive $0xFFFF  }
0x25a: {  	_ =	shalt  }

</sc_bundles>
